<compile_context>
chip_gen: v7x
topology: tpu7x:2x2x1
jax: 0.10.2.dev20260603
libtpu: 0.0.44.dev20260713+nightly
codegen_flags: <defaults>
</compile_context>

<pallas_src>
import functools

import jax
import jax.numpy as jnp
from jax import lax
from jax.experimental import pallas as pl
from jax.experimental.pallas import tpu as pltpu
from jax.experimental.pallas import tpu_sc as plsc

B, N, NPOINT, NSAMPLE = 4, 8192, 1024, 32
RADIUS2 = 0.2 * 0.2


def _fps_body(xyz_ref, out_ref):
    x3 = xyz_ref[...]
    x0, x1, x2c = x3[:, 0, :], x3[:, 1, :], x3[:, 2, :]
    x12 = jnp.concatenate([x0, x1, x2c], axis=0)
    lane = lax.broadcasted_iota(jnp.int32, (B, N), 1)

    def body(i, carry):
        dists, far = carry
        onehot = (lane == far)
        ohf = onehot.astype(jnp.float32)
        oh12 = jnp.concatenate([ohf, ohf, ohf], axis=0)
        c12 = jnp.sum(oh12 * x12, axis=1, keepdims=True)
        out_ref[pl.ds(i, 1)] = c12.reshape(1, 3 * B)
        c0 = c12[0:B]
        c1 = c12[B:2 * B]
        c2 = c12[2 * B:3 * B]
        d0 = x0 - c0
        d1 = x1 - c1
        d2 = x2c - c2
        d = (d0 * d0 + d2 * d2) + d1 * d1
        dists = jnp.minimum(dists, d)
        m = jnp.max(dists, axis=1, keepdims=True)
        far = jnp.min(jnp.where(dists == m, lane, N), axis=1,
                      keepdims=True).astype(jnp.int32)
        return dists, far

    dists0 = jnp.full((B, N), 1e10, dtype=jnp.float32)
    far0 = jnp.zeros((B, 1), dtype=jnp.int32)
    lax.fori_loop(0, NPOINT, body, (dists0, far0))


def _run_fps(xyz_t, interpret=False):
    c = pl.pallas_call(
        _fps_body,
        out_shape=jax.ShapeDtypeStruct((NPOINT, 3 * B), jnp.float32),
        interpret=interpret,
    )(xyz_t)
    return jnp.transpose(c.reshape(NPOINT, 3, B), (2, 0, 1))


QT = 256
NC = 512
NCHUNK = N // NC

def _ball_body(xyz_ref, newx_ref, idx_ref):
    nx = newx_ref[0]
    n0, n1, n2 = nx[:, 0:1], nx[:, 1:2], nx[:, 2:3]
    q2 = (n0 * n0 + n1 * n1) + n2 * n2
    slot = lax.broadcasted_iota(jnp.int32, (1, NSAMPLE), 1)

    def chunk(k, carry):
        count, acc = carry

        def active(_):
            xc = xyz_ref[0, :, pl.ds(k * NC, NC)]
            xc0, xc1, xc2 = xc[0:1, :], xc[1:2, :], xc[2:3, :]
            x2k = (xc0 * xc0 + xc1 * xc1) + xc2 * xc2
            qx = lax.dot_general(nx, xc, (((1,), (0,)), ((), ())),
                                 preferred_element_type=jnp.float32)
            d2 = (q2 + x2k) - 2.0 * qx
            mask = (d2 < RADIUS2).astype(jnp.int32)
            cum = mask
            sh = 1
            while sh < NC:
                shifted = jnp.concatenate(
                    [jnp.zeros((QT, sh), jnp.int32), cum[:, :-sh]], axis=1)
                cum = cum + shifted
                sh *= 2
            cum = cum + count
            acc2 = acc
            for s in range(NSAMPLE):
                cnt = jnp.sum((cum <= s).astype(jnp.int32), axis=1,
                              keepdims=True)
                acc2 = acc2 + cnt * (slot == s).astype(jnp.int32)
            return cum[:, NC - 1:NC], acc2

        return lax.cond(jnp.min(count) < NSAMPLE, active,
                        lambda _: (count, acc), 0)

    count0 = jnp.zeros((QT, 1), jnp.int32)
    acc0 = jnp.zeros((QT, NSAMPLE), jnp.int32)
    _, acc = lax.fori_loop(0, NCHUNK, chunk, (count0, acc0))
    first = acc[:, 0:1]
    idx = jnp.where(acc < N, acc, first)
    idx = jnp.where(idx < N, idx, 0)
    idx_ref[0] = idx


def _run_ball(xyz_t, newx, interpret=False):
    return pl.pallas_call(
        _ball_body,
        grid=(B, NPOINT // QT),
        in_specs=[
            pl.BlockSpec((1, 3, N), lambda b, q: (b, 0, 0)),
            pl.BlockSpec((1, QT, 3), lambda b, q: (b, q, 0)),
        ],
        out_specs=pl.BlockSpec((1, QT, NSAMPLE), lambda b, q: (b, q, 0)),
        out_shape=jax.ShapeDtypeStruct((B, NPOINT, NSAMPLE), jnp.int32),
        interpret=interpret,
    )(xyz_t, newx)


NW = 32
QW = NPOINT * B // NW
WPB = NW // B

def _group_body(xyz_hbm, newx_hbm, idx_hbm, out_hbm, xyz_v, nx_v, idx_v, out_v):
    w = lax.axis_index("s") * 2 + lax.axis_index("c")
    b = w // WPB
    q0 = (w % WPB) * QW
    pltpu.sync_copy(xyz_hbm.at[b], xyz_v)
    pltpu.sync_copy(newx_hbm.at[pl.ds(b * NPOINT * 3 + q0 * 3, QW * 3)], nx_v)
    pltpu.sync_copy(
        idx_hbm.at[pl.ds(b * NPOINT * NSAMPLE + q0 * NSAMPLE, QW * NSAMPLE)],
        idx_v)
    lanes = lax.broadcasted_iota(jnp.int32, (16,), 0)

    def body(q, _):
        for c in range(3):
            ctr = plsc.load_gather(nx_v, [jnp.full((16,), q * 3 + c,
                                                   jnp.int32)])
            for h in range(NSAMPLE // 16):
                iv = plsc.load_gather(
                    idx_v, [q * NSAMPLE + h * 16 + lanes])
                g = plsc.load_gather(
                    xyz_v, [jnp.full((16,), c, jnp.int32), iv])
                out_v[pl.ds(c * (QW * NSAMPLE) + q * NSAMPLE + h * 16, 16)] = (
                    g - ctr)
        return 0

    lax.fori_loop(0, QW, body, 0)
    for c in range(3):
        pltpu.sync_copy(
            out_v.at[pl.ds(c * QW * NSAMPLE, QW * NSAMPLE)],
            out_hbm.at[pl.ds((b * 3 + c) * NPOINT * NSAMPLE + q0 * NSAMPLE,
                             QW * NSAMPLE)])


def _run_group(xyz_t, newx_flat, idx_flat, interpret=False):
    mesh = plsc.VectorSubcoreMesh(core_axis_name="c", subcore_axis_name="s")
    f = pl.kernel(
        _group_body,
        out_type=jax.ShapeDtypeStruct((B * 3 * NPOINT * NSAMPLE,), jnp.float32),
        mesh=mesh,
        scratch_types=[
            pltpu.VMEM((3, N), jnp.float32),
            pltpu.VMEM((QW * 3,), jnp.float32),
            pltpu.VMEM((QW * NSAMPLE,), jnp.int32),
            pltpu.VMEM((3 * QW * NSAMPLE,), jnp.float32),
        ],
        compiler_params=pltpu.CompilerParams(needs_layout_passes=False),
        interpret=interpret,
    )
    return f(xyz_t, newx_flat, idx_flat)


def kernel(xyz):
    xyz_t = jnp.transpose(xyz, (0, 2, 1))
    newx = _run_fps(xyz_t)
    idx = _run_ball(xyz_t, newx)
    newx_flat = newx.reshape(B * NPOINT * 3)
    idx_flat = idx.reshape(B * NPOINT * NSAMPLE)
    grouped = _run_group(xyz_t, newx_flat, idx_flat)
    return grouped.reshape(B, 3, NPOINT, NSAMPLE)

# --- scband reference (transcript-rebuilt; emitter-appended) ---
"""Pipeline reference for scband-pointnet-samodule-base-1082331758729 (READ-ONLY COPY).

The authoritative reference and input builder live on the scoring server;
editing this copy changes nothing except your own understanding.
"""

import jax, jax.numpy as jnp
import numpy as np

B, N, NPOINT, NSAMPLE, RADIUS = 4, 8192, 1024, 32, 0.2


def setup_inputs(seed: int = 0) -> dict:
    key = jax.random.key(seed)
    xyz = jax.random.uniform(key, (B, N, 3), dtype=jnp.float32)
    return {"xyz": xyz}


def _fps(xyz, npoint):
    # Furthest point sampling, sequential like the CUDA kernel; starts at index 0.
    b, n, _ = xyz.shape
    dists = jnp.full((b, n), 1e10, dtype=xyz.dtype)
    farthest = jnp.zeros((b,), dtype=jnp.int32)
    idxs = jnp.zeros((b, npoint), dtype=jnp.int32)

    def body(i, state):
        dists, farthest, idxs = state
        idxs = idxs.at[:, i].set(farthest)
        centroid = xyz[jnp.arange(b), farthest]  # (b, 3)
        d = jnp.sum((xyz - centroid[:, None, :]) ** 2, axis=-1)
        dists = jnp.minimum(dists, d)
        farthest = jnp.argmax(dists, axis=-1).astype(jnp.int32)
        return (dists, farthest, idxs)

    dists, farthest, idxs = jax.lax.fori_loop(0, npoint, body, (dists, farthest, idxs))
    return idxs


def _ball_group(xyz, new_xyz, radius, nsample):
    # QueryAndGroup with features=None: ball query then relative-coordinate grouping.
    b, n, _ = xyz.shape
    x2 = jnp.sum(xyz ** 2, axis=-1)          # (b, n)
    q2 = jnp.sum(new_xyz ** 2, axis=-1)      # (b, npoint)
    dist2 = q2[:, :, None] + x2[:, None, :] - 2.0 * jnp.einsum('bqd,bnd->bqn', new_xyz, xyz)
    mask = dist2 < (radius * radius)
    cand = jnp.where(mask, jnp.arange(n)[None, None, :], n)  # invalid -> n
    idx = jnp.sort(cand, axis=-1)[:, :, :nsample]            # first nsample in-ball indices
    first = idx[:, :, :1]
    idx = jnp.where(idx < n, idx, first)  # pad with first found index (CUDA ball_query behavior)
    idx = jnp.where(idx < n, idx, 0)
    bidx = jnp.arange(b)[:, None, None]
    grouped = xyz[bidx, idx]                 # (b, npoint, nsample, 3) gather
    grouped = grouped - new_xyz[:, :, None, :]
    return jnp.transpose(grouped, (0, 3, 1, 2))  # (b, 3, npoint, nsample)


def reference(xyz):
    fps_idx = _fps(xyz, NPOINT)
    new_xyz = xyz[jnp.arange(xyz.shape[0])[:, None], fps_idx]  # gather_operation
    grouped_xyz = _ball_group(xyz, new_xyz, RADIUS, NSAMPLE)
    return grouped_xyz

if __name__ == "__main__":
    import jax
    _d = setup_inputs()
    print(jax.jit(kernel)(*tuple(_d.values())))

</pallas_src>

<mosaic_0001>
#map = affine_map<(d0, d1) -> (0, 0, 0)>
#map1 = affine_map<(d0, d1) -> (0)>
module attributes {stable_mosaic.version = 14 : i64} {
  func.func @_group_body(%arg0: i32, %arg1: i32, %arg2: memref<4x3x8192xf32, #tpu.memory_space<hbm>>, %arg3: memref<12288xf32, #tpu.memory_space<hbm>>, %arg4: memref<131072xi32, #tpu.memory_space<hbm>>, %arg5: memref<393216xf32, #tpu.memory_space<hbm>>, %arg6: memref<3x8192xf32, #tpu.memory_space<vmem>>, %arg7: memref<384xf32, #tpu.memory_space<vmem>>, %arg8: memref<4096xi32, #tpu.memory_space<vmem>>, %arg9: memref<12288xf32, #tpu.memory_space<vmem>>) attributes {dimension_semantics = [#tpu.dimension_semantics<core_parallel>, #tpu.dimension_semantics<subcore_parallel>], iteration_bounds = array<i64: 2, 16>, scalar_prefetch = 0 : i64, scratch_operands = 4 : i64, tpu.core_type = #tpu.core_type<sc_vector_subcore>, window_params = [{transform_indices = #map}, {transform_indices = #map1}, {transform_indices = #map1}, {transform_indices = #map1}]} {
    %mul3A = arith.constant 2 : i32
    %mul3A_0 = arith.muli %arg1, %mul3A : i32
    %add3A = arith.addi %mul3A_0, %arg0 : i32
    %jit3A = arith.constant 8 : i32
    %div3A = arith.divsi %add3A, %jit3A : i32
    %sign3A = arith.constant 0 : i32
    %sign3A_1 = arith.cmpi sgt, %add3A, %sign3A : i32
    %sign3A_2 = arith.extui %sign3A_1 : i1 to i32
    %sign3A_3 = arith.constant 0 : i32
    %sign3A_4 = arith.cmpi slt, %add3A, %sign3A_3 : i32
    %sign3A_5 = arith.extui %sign3A_4 : i1 to i32
    %sign3A_6 = arith.subi %sign3A_2, %sign3A_5 : i32
    %sign3A_7 = arith.constant 0 : i32
    %sign3A_8 = arith.cmpi sgt, %jit3A, %sign3A_7 : i32
    %sign3A_9 = arith.extui %sign3A_8 : i1 to i32
    %sign3A_10 = arith.constant 0 : i32
    %sign3A_11 = arith.cmpi slt, %jit3A, %sign3A_10 : i32
    %sign3A_12 = arith.extui %sign3A_11 : i1 to i32
    %sign3A_13 = arith.subi %sign3A_9, %sign3A_12 : i32
    %ne3A = arith.cmpi ne, %sign3A_6, %sign3A_13 : i32
    %rem3A = arith.remsi %add3A, %jit3A : i32
    %ne3A_14 = arith.constant 0 : i32
    %ne3A_15 = arith.cmpi ne, %rem3A, %ne3A_14 : i32
    %and3A = arith.andi %ne3A, %ne3A_15 : i1
    %sub3A = arith.constant 1 : i32
    %sub3A_16 = arith.subi %div3A, %sub3A : i32
    %select_n3A = arith.select %and3A, %sub3A_16, %div3A : i32
    %jit3A_17 = arith.constant 8 : i32
    %eq3A = arith.constant 0 : i32
    %eq3A_18 = arith.cmpi eq, %jit3A_17, %eq3A : i32
    %jit3A_19 = arith.constant 1 : i32
    %select_n3A_20 = arith.select %eq3A_18, %jit3A_19, %jit3A_17 : i32
    %rem3A_21 = arith.remsi %add3A, %select_n3A_20 : i32
    %ne3A_22 = arith.constant 0 : i32
    %ne3A_23 = arith.cmpi ne, %rem3A_21, %ne3A_22 : i32
    %lt3A = arith.constant 0 : i32
    %lt3A_24 = arith.cmpi slt, %rem3A_21, %lt3A : i32
    %lt3A_25 = arith.constant 0 : i32
    %lt3A_26 = arith.cmpi slt, %select_n3A_20, %lt3A_25 : i32
    %ne3A_27 = arith.xori %lt3A_24, %lt3A_26 : i1
    %and3A_28 = arith.andi %ne3A_27, %ne3A_23 : i1
    %add3A_29 = arith.addi %rem3A_21, %select_n3A_20 : i32
    %select_n3A_30 = arith.select %and3A_28, %add3A_29, %rem3A_21 : i32
    %mul3A_31 = arith.constant 128 : i32
    %mul3A_32 = arith.muli %select_n3A_30, %mul3A_31 : i32
    "tpu.region"() ({
      %run_scoped3A = tpu.sem_alloc : memref<!tpu.dma_semaphore, #tpu.memory_space<semaphore_mem>>
      %dma_start3A = arith.constant 0 : i32
      %dma_start3A_86 = arith.constant 0 : i32
      %dma_start3A_87 = tpu.memref_slice %arg2[%select_n3A, %dma_start3A, %dma_start3A_86] : memref<4x3x8192xf32, #tpu.memory_space<hbm>> -> memref<1x3x8192xf32, #tpu.memory_space<hbm>>
      %dma_start3A_88 = tpu.memref_squeeze %dma_start3A_87 : memref<1x3x8192xf32, #tpu.memory_space<hbm>> -> memref<3x8192xf32, #tpu.memory_space<hbm>>
      %dma_start3A_89 = arith.constant 0 : i32
      %dma_start3A_90 = arith.constant 0 : i32
      %dma_start3A_91 = tpu.memref_slice %arg2[%select_n3A, %dma_start3A_89, %dma_start3A_90] : memref<4x3x8192xf32, #tpu.memory_space<hbm>> -> memref<1x3x8192xf32, #tpu.memory_space<hbm>>
      %dma_start3A_92 = tpu.memref_squeeze %dma_start3A_91 : memref<1x3x8192xf32, #tpu.memory_space<hbm>> -> memref<3x8192xf32, #tpu.memory_space<hbm>>
      tpu.enqueue_dma source(%dma_start3A_92 : memref<3x8192xf32, #tpu.memory_space<hbm>>) target(%arg6 : memref<3x8192xf32, #tpu.memory_space<vmem>>) target_semaphore(%run_scoped3A : memref<!tpu.dma_semaphore, #tpu.memory_space<semaphore_mem>>)
      %dma_wait3A = arith.constant 0 : i32
      %dma_wait3A_93 = arith.constant 0 : i32
      %dma_wait3A_94 = tpu.memref_slice %arg2[%select_n3A, %dma_wait3A, %dma_wait3A_93] : memref<4x3x8192xf32, #tpu.memory_space<hbm>> -> memref<1x3x8192xf32, #tpu.memory_space<hbm>>
      %dma_wait3A_95 = tpu.memref_squeeze %dma_wait3A_94 : memref<1x3x8192xf32, #tpu.memory_space<hbm>> -> memref<3x8192xf32, #tpu.memory_space<hbm>>
      %dma_wait3A_96 = arith.constant 0 : i32
      %dma_wait3A_97 = arith.constant 0 : i32
      %dma_wait3A_98 = tpu.memref_slice %arg2[%select_n3A, %dma_wait3A_96, %dma_wait3A_97] : memref<4x3x8192xf32, #tpu.memory_space<hbm>> -> memref<1x3x8192xf32, #tpu.memory_space<hbm>>
      %dma_wait3A_99 = tpu.memref_squeeze %dma_wait3A_98 : memref<1x3x8192xf32, #tpu.memory_space<hbm>> -> memref<3x8192xf32, #tpu.memory_space<hbm>>
      tpu.wait_dma2 semaphore(%run_scoped3A : memref<!tpu.dma_semaphore, #tpu.memory_space<semaphore_mem>>) src(%dma_wait3A_99 : memref<3x8192xf32, #tpu.memory_space<hbm>>) dst(%arg6 : memref<3x8192xf32, #tpu.memory_space<vmem>>)
      tpu.yield
    }) : () -> ()
    %mul3A_33 = arith.constant 1024 : i32
    %mul3A_34 = arith.muli %select_n3A, %mul3A_33 : i32
    %mul3A_35 = arith.constant 3 : i32
    %mul3A_36 = arith.muli %mul3A_34, %mul3A_35 : i32
    %mul3A_37 = arith.constant 3 : i32
    %mul3A_38 = arith.muli %mul3A_32, %mul3A_37 : i32
    %add3A_39 = arith.addi %mul3A_36, %mul3A_38 : i32
    "tpu.region"() ({
      %run_scoped3A = tpu.sem_alloc : memref<!tpu.dma_semaphore, #tpu.memory_space<semaphore_mem>>
      %dma_start3A = tpu.memref_slice %arg3[%add3A_39] : memref<12288xf32, #tpu.memory_space<hbm>> -> memref<384xf32, #tpu.memory_space<hbm>>
      %dma_start3A_86 = tpu.memref_slice %arg3[%add3A_39] : memref<12288xf32, #tpu.memory_space<hbm>> -> memref<384xf32, #tpu.memory_space<hbm>>
      tpu.enqueue_dma source(%dma_start3A_86 : memref<384xf32, #tpu.memory_space<hbm>>) target(%arg7 : memref<384xf32, #tpu.memory_space<vmem>>) target_semaphore(%run_scoped3A : memref<!tpu.dma_semaphore, #tpu.memory_space<semaphore_mem>>)
      %dma_wait3A = tpu.memref_slice %arg3[%add3A_39] : memref<12288xf32, #tpu.memory_space<hbm>> -> memref<384xf32, #tpu.memory_space<hbm>>
      %dma_wait3A_87 = tpu.memref_slice %arg3[%add3A_39] : memref<12288xf32, #tpu.memory_space<hbm>> -> memref<384xf32, #tpu.memory_space<hbm>>
      tpu.wait_dma2 semaphore(%run_scoped3A : memref<!tpu.dma_semaphore, #tpu.memory_space<semaphore_mem>>) src(%dma_wait3A_87 : memref<384xf32, #tpu.memory_space<hbm>>) dst(%arg7 : memref<384xf32, #tpu.memory_space<vmem>>)
      tpu.yield
    }) : () -> ()
    %mul3A_40 = arith.constant 1024 : i32
    %mul3A_41 = arith.muli %select_n3A, %mul3A_40 : i32
    %mul3A_42 = arith.constant 32 : i32
    %mul3A_43 = arith.muli %mul3A_41, %mul3A_42 : i32
    %mul3A_44 = arith.constant 32 : i32
    %mul3A_45 = arith.muli %mul3A_32, %mul3A_44 : i32
    %add3A_46 = arith.addi %mul3A_43, %mul3A_45 : i32
    "tpu.region"() ({
      %run_scoped3A = tpu.sem_alloc : memref<!tpu.dma_semaphore, #tpu.memory_space<semaphore_mem>>
      %dma_start3A = tpu.memref_slice %arg4[%add3A_46] : memref<131072xi32, #tpu.memory_space<hbm>> -> memref<4096xi32, #tpu.memory_space<hbm>>
      %dma_start3A_86 = tpu.memref_slice %arg4[%add3A_46] : memref<131072xi32, #tpu.memory_space<hbm>> -> memref<4096xi32, #tpu.memory_space<hbm>>
      tpu.enqueue_dma source(%dma_start3A_86 : memref<4096xi32, #tpu.memory_space<hbm>>) target(%arg8 : memref<4096xi32, #tpu.memory_space<vmem>>) target_semaphore(%run_scoped3A : memref<!tpu.dma_semaphore, #tpu.memory_space<semaphore_mem>>)
      %dma_wait3A = tpu.memref_slice %arg4[%add3A_46] : memref<131072xi32, #tpu.memory_space<hbm>> -> memref<4096xi32, #tpu.memory_space<hbm>>
      %dma_wait3A_87 = tpu.memref_slice %arg4[%add3A_46] : memref<131072xi32, #tpu.memory_space<hbm>> -> memref<4096xi32, #tpu.memory_space<hbm>>
      tpu.wait_dma2 semaphore(%run_scoped3A : memref<!tpu.dma_semaphore, #tpu.memory_space<semaphore_mem>>) src(%dma_wait3A_87 : memref<4096xi32, #tpu.memory_space<hbm>>) dst(%arg8 : memref<4096xi32, #tpu.memory_space<vmem>>)
      tpu.yield
    }) : () -> ()
    %iota3A = tpu.iota {dimensions = array<i32: 0>} : vector<16xi32>
    %scan3A = arith.constant 0 : i32
    %scan3A_47 = arith.constant 0 : i32
    %scan3A_48 = arith.constant 128 : i32
    %scan3A_49 = arith.addi %scan3A_47, %scan3A_48 : i32
    %scan3A_50 = arith.constant 1 : i32
    %scan3A_51 = scf.for %scan3A_86 = %scan3A_47 to %scan3A_49 step %scan3A_50 iter_args(%scan3A_87 = %scan3A) -> (i32)  : i32 {
      %mul3A_88 = arith.constant 3 : i32
      %mul3A_89 = arith.muli %scan3A_86, %mul3A_88 : i32
      %add3A_90 = arith.constant 0 : i32
      %add3A_91 = arith.addi %mul3A_89, %add3A_90 : i32
      %broadcast_in_dim3A = vector.broadcast %add3A_91 : i32 to vector<16xi32>
      %gather3A = tpu.vector_load_idx %arg7[%broadcast_in_dim3A] : memref<384xf32, #tpu.memory_space<vmem>>[vector<16xi32>], vector<16xf32>,
      %mul3A_92 = arith.constant 32 : i32
      %mul3A_93 = arith.muli %scan3A_86, %mul3A_92 : i32
      %add3A_94 = arith.constant 0 : i32
      %add3A_95 = arith.addi %mul3A_93, %add3A_94 : i32
      %add3A_96 = vector.broadcast %add3A_95 : i32 to vector<16xi32>
      %add3A_97 = arith.addi %add3A_96, %iota3A : vector<16xi32>
      %gather3A_98 = tpu.vector_load_idx %arg8[%add3A_97] : memref<4096xi32, #tpu.memory_space<vmem>>[vector<16xi32>], vector<16xi32>,
      %broadcast_in_dim3A_99 = arith.constant 0 : i32
      %broadcast_in_dim3A_100 = vector.broadcast %broadcast_in_dim3A_99 : i32 to vector<16xi32>
      %gather3A_101 = tpu.vector_load_idx %arg6[%broadcast_in_dim3A_100, %gather3A_98] : memref<3x8192xf32, #tpu.memory_space<vmem>>[vector<16xi32>, vector<16xi32>], vector<16xf32>,
      %sub3A_102 = arith.subf %gather3A_101, %gather3A : vector<16xf32>
      %mul3A_103 = arith.constant 32 : i32
      %mul3A_104 = arith.muli %scan3A_86, %mul3A_103 : i32
      %add3A_105 = arith.constant 0 : i32
      %add3A_106 = arith.addi %add3A_105, %mul3A_104 : i32
      %add3A_107 = arith.constant 0 : i32
      %add3A_108 = arith.addi %add3A_106, %add3A_107 : i32
      %swap3A = arith.index_cast %add3A_108 : i32 to index
      %swap3A_109 = tpu.vector_load %arg9[%swap3A] {strides = array<i32>} : memref<12288xf32, #tpu.memory_space<vmem>>, vector<16xf32>,
      tpu.vector_store %arg9[%swap3A], %sub3A_102 {strides = array<i32>} : memref<12288xf32, #tpu.memory_space<vmem>>, vector<16xf32>,
      %mul3A_110 = arith.constant 32 : i32
      %mul3A_111 = arith.muli %scan3A_86, %mul3A_110 : i32
      %add3A_112 = arith.constant 16 : i32
      %add3A_113 = arith.addi %mul3A_111, %add3A_112 : i32
      %add3A_114 = vector.broadcast %add3A_113 : i32 to vector<16xi32>
      %add3A_115 = arith.addi %add3A_114, %iota3A : vector<16xi32>
      %gather3A_116 = tpu.vector_load_idx %arg8[%add3A_115] : memref<4096xi32, #tpu.memory_space<vmem>>[vector<16xi32>], vector<16xi32>,
      %broadcast_in_dim3A_117 = arith.constant 0 : i32
      %broadcast_in_dim3A_118 = vector.broadcast %broadcast_in_dim3A_117 : i32 to vector<16xi32>
      %gather3A_119 = tpu.vector_load_idx %arg6[%broadcast_in_dim3A_118, %gather3A_116] : memref<3x8192xf32, #tpu.memory_space<vmem>>[vector<16xi32>, vector<16xi32>], vector<16xf32>,
      %sub3A_120 = arith.subf %gather3A_119, %gather3A : vector<16xf32>
      %mul3A_121 = arith.constant 32 : i32
      %mul3A_122 = arith.muli %scan3A_86, %mul3A_121 : i32
      %add3A_123 = arith.constant 0 : i32
      %add3A_124 = arith.addi %add3A_123, %mul3A_122 : i32
      %add3A_125 = arith.constant 16 : i32
      %add3A_126 = arith.addi %add3A_124, %add3A_125 : i32
      %swap3A_127 = arith.index_cast %add3A_126 : i32 to index
      %swap3A_128 = tpu.vector_load %arg9[%swap3A_127] {strides = array<i32>} : memref<12288xf32, #tpu.memory_space<vmem>>, vector<16xf32>,
      tpu.vector_store %arg9[%swap3A_127], %sub3A_120 {strides = array<i32>} : memref<12288xf32, #tpu.memory_space<vmem>>, vector<16xf32>,
      %mul3A_129 = arith.constant 3 : i32
      %mul3A_130 = arith.muli %scan3A_86, %mul3A_129 : i32
      %add3A_131 = arith.constant 1 : i32
      %add3A_132 = arith.addi %mul3A_130, %add3A_131 : i32
      %broadcast_in_dim3A_133 = vector.broadcast %add3A_132 : i32 to vector<16xi32>
      %gather3A_134 = tpu.vector_load_idx %arg7[%broadcast_in_dim3A_133] : memref<384xf32, #tpu.memory_space<vmem>>[vector<16xi32>], vector<16xf32>,
      %mul3A_135 = arith.constant 32 : i32
      %mul3A_136 = arith.muli %scan3A_86, %mul3A_135 : i32
      %add3A_137 = arith.constant 0 : i32
      %add3A_138 = arith.addi %mul3A_136, %add3A_137 : i32
      %add3A_139 = vector.broadcast %add3A_138 : i32 to vector<16xi32>
      %add3A_140 = arith.addi %add3A_139, %iota3A : vector<16xi32>
      %gather3A_141 = tpu.vector_load_idx %arg8[%add3A_140] : memref<4096xi32, #tpu.memory_space<vmem>>[vector<16xi32>], vector<16xi32>,
      %broadcast_in_dim3A_142 = arith.constant 1 : i32
      %broadcast_in_dim3A_143 = vector.broadcast %broadcast_in_dim3A_142 : i32 to vector<16xi32>
      %gather3A_144 = tpu.vector_load_idx %arg6[%broadcast_in_dim3A_143, %gather3A_141] : memref<3x8192xf32, #tpu.memory_space<vmem>>[vector<16xi32>, vector<16xi32>], vector<16xf32>,
      %sub3A_145 = arith.subf %gather3A_144, %gather3A_134 : vector<16xf32>
      %mul3A_146 = arith.constant 32 : i32
      %mul3A_147 = arith.muli %scan3A_86, %mul3A_146 : i32
      %add3A_148 = arith.constant 4096 : i32
      %add3A_149 = arith.addi %add3A_148, %mul3A_147 : i32
      %add3A_150 = arith.constant 0 : i32
      %add3A_151 = arith.addi %add3A_149, %add3A_150 : i32
      %swap3A_152 = arith.index_cast %add3A_151 : i32 to index
      %swap3A_153 = tpu.vector_load %arg9[%swap3A_152] {strides = array<i32>} : memref<12288xf32, #tpu.memory_space<vmem>>, vector<16xf32>,
      tpu.vector_store %arg9[%swap3A_152], %sub3A_145 {strides = array<i32>} : memref<12288xf32, #tpu.memory_space<vmem>>, vector<16xf32>,
      %mul3A_154 = arith.constant 32 : i32
      %mul3A_155 = arith.muli %scan3A_86, %mul3A_154 : i32
      %add3A_156 = arith.constant 16 : i32
      %add3A_157 = arith.addi %mul3A_155, %add3A_156 : i32
      %add3A_158 = vector.broadcast %add3A_157 : i32 to vector<16xi32>
      %add3A_159 = arith.addi %add3A_158, %iota3A : vector<16xi32>
      %gather3A_160 = tpu.vector_load_idx %arg8[%add3A_159] : memref<4096xi32, #tpu.memory_space<vmem>>[vector<16xi32>], vector<16xi32>,
      %broadcast_in_dim3A_161 = arith.constant 1 : i32
      %broadcast_in_dim3A_162 = vector.broadcast %broadcast_in_dim3A_161 : i32 to vector<16xi32>
      %gather3A_163 = tpu.vector_load_idx %arg6[%broadcast_in_dim3A_162, %gather3A_160] : memref<3x8192xf32, #tpu.memory_space<vmem>>[vector<16xi32>, vector<16xi32>], vector<16xf32>,
      %sub3A_164 = arith.subf %gather3A_163, %gather3A_134 : vector<16xf32>
      %mul3A_165 = arith.constant 32 : i32
      %mul3A_166 = arith.muli %scan3A_86, %mul3A_165 : i32
      %add3A_167 = arith.constant 4096 : i32
      %add3A_168 = arith.addi %add3A_167, %mul3A_166 : i32
      %add3A_169 = arith.constant 16 : i32
      %add3A_170 = arith.addi %add3A_168, %add3A_169 : i32
      %swap3A_171 = arith.index_cast %add3A_170 : i32 to index
      %swap3A_172 = tpu.vector_load %arg9[%swap3A_171] {strides = array<i32>} : memref<12288xf32, #tpu.memory_space<vmem>>, vector<16xf32>,
      tpu.vector_store %arg9[%swap3A_171], %sub3A_164 {strides = array<i32>} : memref<12288xf32, #tpu.memory_space<vmem>>, vector<16xf32>,
      %mul3A_173 = arith.constant 3 : i32
      %mul3A_174 = arith.muli %scan3A_86, %mul3A_173 : i32
      %add3A_175 = arith.constant 2 : i32
      %add3A_176 = arith.addi %mul3A_174, %add3A_175 : i32
      %broadcast_in_dim3A_177 = vector.broadcast %add3A_176 : i32 to vector<16xi32>
      %gather3A_178 = tpu.vector_load_idx %arg7[%broadcast_in_dim3A_177] : memref<384xf32, #tpu.memory_space<vmem>>[vector<16xi32>], vector<16xf32>,
      %mul3A_179 = arith.constant 32 : i32
      %mul3A_180 = arith.muli %scan3A_86, %mul3A_179 : i32
      %add3A_181 = arith.constant 0 : i32
      %add3A_182 = arith.addi %mul3A_180, %add3A_181 : i32
      %add3A_183 = vector.broadcast %add3A_182 : i32 to vector<16xi32>
      %add3A_184 = arith.addi %add3A_183, %iota3A : vector<16xi32>
      %gather3A_185 = tpu.vector_load_idx %arg8[%add3A_184] : memref<4096xi32, #tpu.memory_space<vmem>>[vector<16xi32>], vector<16xi32>,
      %broadcast_in_dim3A_186 = arith.constant 2 : i32
      %broadcast_in_dim3A_187 = vector.broadcast %broadcast_in_dim3A_186 : i32 to vector<16xi32>
      %gather3A_188 = tpu.vector_load_idx %arg6[%broadcast_in_dim3A_187, %gather3A_185] : memref<3x8192xf32, #tpu.memory_space<vmem>>[vector<16xi32>, vector<16xi32>], vector<16xf32>,
      %sub3A_189 = arith.subf %gather3A_188, %gather3A_178 : vector<16xf32>
      %mul3A_190 = arith.constant 32 : i32
      %mul3A_191 = arith.muli %scan3A_86, %mul3A_190 : i32
      %add3A_192 = arith.constant 8192 : i32
      %add3A_193 = arith.addi %add3A_192, %mul3A_191 : i32
      %add3A_194 = arith.constant 0 : i32
      %add3A_195 = arith.addi %add3A_193, %add3A_194 : i32
      %swap3A_196 = arith.index_cast %add3A_195 : i32 to index
      %swap3A_197 = tpu.vector_load %arg9[%swap3A_196] {strides = array<i32>} : memref<12288xf32, #tpu.memory_space<vmem>>, vector<16xf32>,
      tpu.vector_store %arg9[%swap3A_196], %sub3A_189 {strides = array<i32>} : memref<12288xf32, #tpu.memory_space<vmem>>, vector<16xf32>,
      %mul3A_198 = arith.constant 32 : i32
      %mul3A_199 = arith.muli %scan3A_86, %mul3A_198 : i32
      %add3A_200 = arith.constant 16 : i32
      %add3A_201 = arith.addi %mul3A_199, %add3A_200 : i32
      %add3A_202 = vector.broadcast %add3A_201 : i32 to vector<16xi32>
      %add3A_203 = arith.addi %add3A_202, %iota3A : vector<16xi32>
      %gather3A_204 = tpu.vector_load_idx %arg8[%add3A_203] : memref<4096xi32, #tpu.memory_space<vmem>>[vector<16xi32>], vector<16xi32>,
      %broadcast_in_dim3A_205 = arith.constant 2 : i32
      %broadcast_in_dim3A_206 = vector.broadcast %broadcast_in_dim3A_205 : i32 to vector<16xi32>
      %gather3A_207 = tpu.vector_load_idx %arg6[%broadcast_in_dim3A_206, %gather3A_204] : memref<3x8192xf32, #tpu.memory_space<vmem>>[vector<16xi32>, vector<16xi32>], vector<16xf32>,
      %sub3A_208 = arith.subf %gather3A_207, %gather3A_178 : vector<16xf32>
      %mul3A_209 = arith.constant 32 : i32
      %mul3A_210 = arith.muli %scan3A_86, %mul3A_209 : i32
      %add3A_211 = arith.constant 8192 : i32
      %add3A_212 = arith.addi %add3A_211, %mul3A_210 : i32
      %add3A_213 = arith.constant 16 : i32
      %add3A_214 = arith.addi %add3A_212, %add3A_213 : i32
      %swap3A_215 = arith.index_cast %add3A_214 : i32 to index
      %swap3A_216 = tpu.vector_load %arg9[%swap3A_215] {strides = array<i32>} : memref<12288xf32, #tpu.memory_space<vmem>>, vector<16xf32>,
      tpu.vector_store %arg9[%swap3A_215], %sub3A_208 {strides = array<i32>} : memref<12288xf32, #tpu.memory_space<vmem>>, vector<16xf32>,
      %scan3A_217 = arith.constant 0 : i32
      scf.yield %scan3A_217 : i32
    }
    %scan3A_52 = arith.constant 128 : i32
    %mul3A_53 = arith.constant 3 : i32
    %mul3A_54 = arith.muli %select_n3A, %mul3A_53 : i32
    %add3A_55 = arith.constant 0 : i32
    %add3A_56 = arith.addi %mul3A_54, %add3A_55 : i32
    %mul3A_57 = arith.constant 1024 : i32
    %mul3A_58 = arith.muli %add3A_56, %mul3A_57 : i32
    %mul3A_59 = arith.constant 32 : i32
    %mul3A_60 = arith.muli %mul3A_58, %mul3A_59 : i32
    %mul3A_61 = arith.constant 32 : i32
    %mul3A_62 = arith.muli %mul3A_32, %mul3A_61 : i32
    %add3A_63 = arith.addi %mul3A_60, %mul3A_62 : i32
    "tpu.region"() ({
      %run_scoped3A = tpu.sem_alloc : memref<!tpu.dma_semaphore, #tpu.memory_space<semaphore_mem>>
      %dma_start3A = arith.constant 0 : i32
      %dma_start3A_86 = tpu.memref_slice %arg9[%dma_start3A] : memref<12288xf32, #tpu.memory_space<vmem>> -> memref<4096xf32, #tpu.memory_space<vmem>>
      %dma_start3A_87 = tpu.memref_slice %arg5[%add3A_63] : memref<393216xf32, #tpu.memory_space<hbm>> -> memref<4096xf32, #tpu.memory_space<hbm>>
      %dma_start3A_88 = tpu.memref_slice %arg5[%add3A_63] : memref<393216xf32, #tpu.memory_space<hbm>> -> memref<4096xf32, #tpu.memory_space<hbm>>
      %dma_start3A_89 = arith.constant 0 : i32
      %dma_start3A_90 = tpu.memref_slice %arg9[%dma_start3A_89] : memref<12288xf32, #tpu.memory_space<vmem>> -> memref<4096xf32, #tpu.memory_space<vmem>>
      tpu.enqueue_dma source(%dma_start3A_90 : memref<4096xf32, #tpu.memory_space<vmem>>) target(%dma_start3A_88 : memref<4096xf32, #tpu.memory_space<hbm>>) target_semaphore(%run_scoped3A : memref<!tpu.dma_semaphore, #tpu.memory_space<semaphore_mem>>)
      %dma_wait3A = arith.constant 0 : i32
      %dma_wait3A_91 = tpu.memref_slice %arg9[%dma_wait3A] : memref<12288xf32, #tpu.memory_space<vmem>> -> memref<4096xf32, #tpu.memory_space<vmem>>
      %dma_wait3A_92 = tpu.memref_slice %arg5[%add3A_63] : memref<393216xf32, #tpu.memory_space<hbm>> -> memref<4096xf32, #tpu.memory_space<hbm>>
      %dma_wait3A_93 = tpu.memref_slice %arg5[%add3A_63] : memref<393216xf32, #tpu.memory_space<hbm>> -> memref<4096xf32, #tpu.memory_space<hbm>>
      %dma_wait3A_94 = arith.constant 0 : i32
      %dma_wait3A_95 = tpu.memref_slice %arg9[%dma_wait3A_94] : memref<12288xf32, #tpu.memory_space<vmem>> -> memref<4096xf32, #tpu.memory_space<vmem>>
      tpu.wait_dma2 semaphore(%run_scoped3A : memref<!tpu.dma_semaphore, #tpu.memory_space<semaphore_mem>>) src(%dma_wait3A_95 : memref<4096xf32, #tpu.memory_space<vmem>>) dst(%dma_wait3A_93 : memref<4096xf32, #tpu.memory_space<hbm>>)
      tpu.yield
    }) : () -> ()
    %mul3A_64 = arith.constant 3 : i32
    %mul3A_65 = arith.muli %select_n3A, %mul3A_64 : i32
    %add3A_66 = arith.constant 1 : i32
    %add3A_67 = arith.addi %mul3A_65, %add3A_66 : i32
    %mul3A_68 = arith.constant 1024 : i32
    %mul3A_69 = arith.muli %add3A_67, %mul3A_68 : i32
    %mul3A_70 = arith.constant 32 : i32
    %mul3A_71 = arith.muli %mul3A_69, %mul3A_70 : i32
    %mul3A_72 = arith.constant 32 : i32
    %mul3A_73 = arith.muli %mul3A_32, %mul3A_72 : i32
    %add3A_74 = arith.addi %mul3A_71, %mul3A_73 : i32
    "tpu.region"() ({
      %run_scoped3A = tpu.sem_alloc : memref<!tpu.dma_semaphore, #tpu.memory_space<semaphore_mem>>
      %dma_start3A = arith.constant 4096 : i32
      %dma_start3A_86 = tpu.memref_slice %arg9[%dma_start3A] : memref<12288xf32, #tpu.memory_space<vmem>> -> memref<4096xf32, #tpu.memory_space<vmem>>
      %dma_start3A_87 = tpu.memref_slice %arg5[%add3A_74] : memref<393216xf32, #tpu.memory_space<hbm>> -> memref<4096xf32, #tpu.memory_space<hbm>>
      %dma_start3A_88 = tpu.memref_slice %arg5[%add3A_74] : memref<393216xf32, #tpu.memory_space<hbm>> -> memref<4096xf32, #tpu.memory_space<hbm>>
      %dma_start3A_89 = arith.constant 4096 : i32
      %dma_start3A_90 = tpu.memref_slice %arg9[%dma_start3A_89] : memref<12288xf32, #tpu.memory_space<vmem>> -> memref<4096xf32, #tpu.memory_space<vmem>>
      tpu.enqueue_dma source(%dma_start3A_90 : memref<4096xf32, #tpu.memory_space<vmem>>) target(%dma_start3A_88 : memref<4096xf32, #tpu.memory_space<hbm>>) target_semaphore(%run_scoped3A : memref<!tpu.dma_semaphore, #tpu.memory_space<semaphore_mem>>)
      %dma_wait3A = arith.constant 4096 : i32
      %dma_wait3A_91 = tpu.memref_slice %arg9[%dma_wait3A] : memref<12288xf32, #tpu.memory_space<vmem>> -> memref<4096xf32, #tpu.memory_space<vmem>>
      %dma_wait3A_92 = tpu.memref_slice %arg5[%add3A_74] : memref<393216xf32, #tpu.memory_space<hbm>> -> memref<4096xf32, #tpu.memory_space<hbm>>
      %dma_wait3A_93 = tpu.memref_slice %arg5[%add3A_74] : memref<393216xf32, #tpu.memory_space<hbm>> -> memref<4096xf32, #tpu.memory_space<hbm>>
      %dma_wait3A_94 = arith.constant 4096 : i32
      %dma_wait3A_95 = tpu.memref_slice %arg9[%dma_wait3A_94] : memref<12288xf32, #tpu.memory_space<vmem>> -> memref<4096xf32, #tpu.memory_space<vmem>>
      tpu.wait_dma2 semaphore(%run_scoped3A : memref<!tpu.dma_semaphore, #tpu.memory_space<semaphore_mem>>) src(%dma_wait3A_95 : memref<4096xf32, #tpu.memory_space<vmem>>) dst(%dma_wait3A_93 : memref<4096xf32, #tpu.memory_space<hbm>>)
      tpu.yield
    }) : () -> ()
    %mul3A_75 = arith.constant 3 : i32
    %mul3A_76 = arith.muli %select_n3A, %mul3A_75 : i32
    %add3A_77 = arith.constant 2 : i32
    %add3A_78 = arith.addi %mul3A_76, %add3A_77 : i32
    %mul3A_79 = arith.constant 1024 : i32
    %mul3A_80 = arith.muli %add3A_78, %mul3A_79 : i32
    %mul3A_81 = arith.constant 32 : i32
    %mul3A_82 = arith.muli %mul3A_80, %mul3A_81 : i32
    %mul3A_83 = arith.constant 32 : i32
    %mul3A_84 = arith.muli %mul3A_32, %mul3A_83 : i32
    %add3A_85 = arith.addi %mul3A_82, %mul3A_84 : i32
    "tpu.region"() ({
      %run_scoped3A = tpu.sem_alloc : memref<!tpu.dma_semaphore, #tpu.memory_space<semaphore_mem>>
      %dma_start3A = arith.constant 8192 : i32
      %dma_start3A_86 = tpu.memref_slice %arg9[%dma_start3A] : memref<12288xf32, #tpu.memory_space<vmem>> -> memref<4096xf32, #tpu.memory_space<vmem>>
      %dma_start3A_87 = tpu.memref_slice %arg5[%add3A_85] : memref<393216xf32, #tpu.memory_space<hbm>> -> memref<4096xf32, #tpu.memory_space<hbm>>
      %dma_start3A_88 = tpu.memref_slice %arg5[%add3A_85] : memref<393216xf32, #tpu.memory_space<hbm>> -> memref<4096xf32, #tpu.memory_space<hbm>>
      %dma_start3A_89 = arith.constant 8192 : i32
      %dma_start3A_90 = tpu.memref_slice %arg9[%dma_start3A_89] : memref<12288xf32, #tpu.memory_space<vmem>> -> memref<4096xf32, #tpu.memory_space<vmem>>
      tpu.enqueue_dma source(%dma_start3A_90 : memref<4096xf32, #tpu.memory_space<vmem>>) target(%dma_start3A_88 : memref<4096xf32, #tpu.memory_space<hbm>>) target_semaphore(%run_scoped3A : memref<!tpu.dma_semaphore, #tpu.memory_space<semaphore_mem>>)
      %dma_wait3A = arith.constant 8192 : i32
      %dma_wait3A_91 = tpu.memref_slice %arg9[%dma_wait3A] : memref<12288xf32, #tpu.memory_space<vmem>> -> memref<4096xf32, #tpu.memory_space<vmem>>
      %dma_wait3A_92 = tpu.memref_slice %arg5[%add3A_85] : memref<393216xf32, #tpu.memory_space<hbm>> -> memref<4096xf32, #tpu.memory_space<hbm>>
      %dma_wait3A_93 = tpu.memref_slice %arg5[%add3A_85] : memref<393216xf32, #tpu.memory_space<hbm>> -> memref<4096xf32, #tpu.memory_space<hbm>>
      %dma_wait3A_94 = arith.constant 8192 : i32
      %dma_wait3A_95 = tpu.memref_slice %arg9[%dma_wait3A_94] : memref<12288xf32, #tpu.memory_space<vmem>> -> memref<4096xf32, #tpu.memory_space<vmem>>
      tpu.wait_dma2 semaphore(%run_scoped3A : memref<!tpu.dma_semaphore, #tpu.memory_space<semaphore_mem>>) src(%dma_wait3A_95 : memref<4096xf32, #tpu.memory_space<vmem>>) dst(%dma_wait3A_93 : memref<4096xf32, #tpu.memory_space<hbm>>)
      tpu.yield
    }) : () -> ()
    return
  }
}

module attributes {stable_mosaic.version = 14 : i64} {
  func.func @_fps_body(%arg0: memref<4x3x8192xf32, #tpu.memory_space<vmem>>, %arg1: memref<1024x12xf32, #tpu.memory_space<vmem>>) attributes {dimension_semantics = [], scalar_prefetch = 0 : i64, scratch_operands = 0 : i64, tpu.core_type = #tpu.core_type<tc>} {
    %get3A = arith.constant 0 : index
    %get3A_0 = arith.constant 0 : index
    %get3A_1 = arith.constant 0 : index
    %get3A_2 = vector.load %arg0[%get3A, %get3A_0, %get3A_1] : memref<4x3x8192xf32, #tpu.memory_space<vmem>>, vector<4x3x8192xf32>
    %slice3A = vector.extract_strided_slice %get3A_2 {offsets = [0, 0, 0], sizes = [4, 1, 8192], strides = [1, 1, 1]} : vector<4x3x8192xf32> to vector<4x1x8192xf32>
    %squeeze3A = vector.shape_cast %slice3A : vector<4x1x8192xf32> to vector<4x8192xf32>
    %slice3A_3 = vector.extract_strided_slice %get3A_2 {offsets = [0, 1, 0], sizes = [4, 1, 8192], strides = [1, 1, 1]} : vector<4x3x8192xf32> to vector<4x1x8192xf32>
    %squeeze3A_4 = vector.shape_cast %slice3A_3 : vector<4x1x8192xf32> to vector<4x8192xf32>
    %slice3A_5 = vector.extract_strided_slice %get3A_2 {offsets = [0, 2, 0], sizes = [4, 1, 8192], strides = [1, 1, 1]} : vector<4x3x8192xf32> to vector<4x1x8192xf32>
    %squeeze3A_6 = vector.shape_cast %slice3A_5 : vector<4x1x8192xf32> to vector<4x8192xf32>
    %concatenate3A = tpu.concatenate %squeeze3A, %squeeze3A_4, %squeeze3A_6 in 0 : vector<4x8192xf32>, vector<4x8192xf32>, vector<4x8192xf32> -> vector<12x8192xf32>
    %iota3A = tpu.iota {dimensions = array<i32: 1>} : vector<4x8192xi32>
    %broadcast_in_dim3A = arith.constant 1.000000e+10 : f32
    %broadcast_in_dim3A_7 = vector.broadcast %broadcast_in_dim3A : f32 to vector<4x8192xf32>
    %broadcast_in_dim3A_8 = arith.constant 0 : i32
    %broadcast_in_dim3A_9 = vector.broadcast %broadcast_in_dim3A_8 : i32 to vector<4x1xi32>
    %scan3A = arith.constant 0 : i32
    %scan3A_10 = arith.constant 1024 : i32
    %scan3A_11 = arith.addi %scan3A, %scan3A_10 : i32
    %scan3A_12 = arith.constant 1 : i32
    %scan3A_13:2 = scf.for %scan3A_15 = %scan3A to %scan3A_11 step %scan3A_12 iter_args(%scan3A_16 = %broadcast_in_dim3A_7, %scan3A_17 = %broadcast_in_dim3A_9) -> (vector<4x8192xf32>, vector<4x1xi32>)  : i32 {
      %eq3A = vector.broadcast %scan3A_17 : vector<4x1xi32> to vector<4x8192xi32>
      %eq3A_18 = arith.cmpi eq, %iota3A, %eq3A : vector<4x8192xi32>
      %convert_element_type3A = arith.extui %eq3A_18 : vector<4x8192xi1> to vector<4x8192xi32>
      %convert_element_type3A_19 = arith.sitofp %convert_element_type3A : vector<4x8192xi32> to vector<4x8192xf32>
      %concatenate3A_20 = tpu.concatenate %convert_element_type3A_19, %convert_element_type3A_19, %convert_element_type3A_19 in 0 : vector<4x8192xf32>, vector<4x8192xf32>, vector<4x8192xf32> -> vector<12x8192xf32>
      %mul3A = arith.mulf %concatenate3A_20, %concatenate3A : vector<12x8192xf32>
      %reduce_sum3A = arith.constant dense<0.000000e+00> : vector<12xf32>
      %reduce_sum3A_21 = vector.multi_reduction <add>, %mul3A, %reduce_sum3A [1] : vector<12x8192xf32> to vector<12xf32>
      %broadcast_in_dim3A_22 = vector.shape_cast %reduce_sum3A_21 : vector<12xf32> to vector<12x1xf32>
      %reshape3A = vector.shape_cast %broadcast_in_dim3A_22 : vector<12x1xf32> to vector<1x12xf32>
      %swap3A = arith.index_cast %scan3A_15 : i32 to index
      %swap3A_23 = arith.constant 0 : index
      %swap3A_24 = vector.load %arg1[%swap3A, %swap3A_23] : memref<1024x12xf32, #tpu.memory_space<vmem>>, vector<1x12xf32>
      tpu.vector_store %arg1[%swap3A, %swap3A_23], %reshape3A {strides = array<i32>} : memref<1024x12xf32, #tpu.memory_space<vmem>>, vector<1x12xf32>,
      %slice3A_25 = vector.extract_strided_slice %broadcast_in_dim3A_22 {offsets = [0, 0], sizes = [4, 1], strides = [1, 1]} : vector<12x1xf32> to vector<4x1xf32>
      %slice3A_26 = vector.extract_strided_slice %broadcast_in_dim3A_22 {offsets = [4, 0], sizes = [4, 1], strides = [1, 1]} : vector<12x1xf32> to vector<4x1xf32>
      %slice3A_27 = vector.extract_strided_slice %broadcast_in_dim3A_22 {offsets = [8, 0], sizes = [4, 1], strides = [1, 1]} : vector<12x1xf32> to vector<4x1xf32>
      %sub3A = vector.broadcast %slice3A_25 : vector<4x1xf32> to vector<4x8192xf32>
      %sub3A_28 = arith.subf %squeeze3A, %sub3A : vector<4x8192xf32>
      %sub3A_29 = vector.broadcast %slice3A_26 : vector<4x1xf32> to vector<4x8192xf32>
      %sub3A_30 = arith.subf %squeeze3A_4, %sub3A_29 : vector<4x8192xf32>
      %sub3A_31 = vector.broadcast %slice3A_27 : vector<4x1xf32> to vector<4x8192xf32>
      %sub3A_32 = arith.subf %squeeze3A_6, %sub3A_31 : vector<4x8192xf32>
      %mul3A_33 = arith.mulf %sub3A_28, %sub3A_28 : vector<4x8192xf32>
      %mul3A_34 = arith.mulf %sub3A_32, %sub3A_32 : vector<4x8192xf32>
      %add3A = arith.addf %mul3A_33, %mul3A_34 : vector<4x8192xf32>
      %mul3A_35 = arith.mulf %sub3A_30, %sub3A_30 : vector<4x8192xf32>
      %add3A_36 = arith.addf %add3A, %mul3A_35 : vector<4x8192xf32>
      %min3A = arith.minimumf %scan3A_16, %add3A_36 : vector<4x8192xf32>
      %reduce_max3A = arith.constant dense<0xFF800000> : vector<4xf32>
      %reduce_max3A_37 = vector.multi_reduction <maximumf>, %min3A, %reduce_max3A [1] : vector<4x8192xf32> to vector<4xf32>
      %broadcast_in_dim3A_38 = vector.shape_cast %reduce_max3A_37 : vector<4xf32> to vector<4x1xf32>
      %eq3A_39 = vector.broadcast %broadcast_in_dim3A_38 : vector<4x1xf32> to vector<4x8192xf32>
      %eq3A_40 = arith.cmpf oeq, %min3A, %eq3A_39 : vector<4x8192xf32>
      %jit3A = arith.constant 8192 : i32
      %broadcast_in_dim3A_41 = vector.broadcast %jit3A : i32 to vector<4x8192xi32>
      %select_n3A = arith.select %eq3A_40, %iota3A, %broadcast_in_dim3A_41 : vector<4x8192xi1>, vector<4x8192xi32>
      %reduce_min3A = arith.constant dense<2147483647> : vector<4xi32>
      %reduce_min3A_42 = vector.multi_reduction <minsi>, %select_n3A, %reduce_min3A [1] : vector<4x8192xi32> to vector<4xi32>
      %broadcast_in_dim3A_43 = vector.shape_cast %reduce_min3A_42 : vector<4xi32> to vector<4x1xi32>
      scf.yield %min3A, %broadcast_in_dim3A_43 : vector<4x8192xf32>, vector<4x1xi32>
    }
    %scan3A_14 = arith.constant 1024 : i32
    return
  }
}

module attributes {stable_mosaic.version = 14 : i64} {
  func.func @_ball_body(%arg0: i32, %arg1: i32, %arg2: memref<1x3x8192xf32, #tpu.memory_space<vmem>>, %arg3: memref<1x256x3xf32, #tpu.memory_space<vmem>>, %arg4: memref<1x256x32xi32, #tpu.memory_space<vmem>>) attributes {dimension_semantics = [#tpu.dimension_semantics<arbitrary>, #tpu.dimension_semantics<arbitrary>], iteration_bounds = array<i64: 4, 4>, scalar_prefetch = 0 : i64, scratch_operands = 0 : i64, tpu.core_type = #tpu.core_type<tc>, window_params = [{transform_indices = @transform_0, window_bounds = array<i64: 1, 3, 8192>}, {transform_indices = @transform_1, window_bounds = array<i64: 1, 256, 3>}, {transform_indices = @transform_2, window_bounds = array<i64: 1, 256, 32>}]} {
    %get3A = arith.constant 0 : index
    %get3A_0 = arith.constant 0 : index
    %get3A_1 = arith.constant 0 : index
    %get3A_2 = vector.load %arg3[%get3A, %get3A_0, %get3A_1] : memref<1x256x3xf32, #tpu.memory_space<vmem>>, vector<1x256x3xf32>
    %get3A_3 = vector.shape_cast %get3A_2 : vector<1x256x3xf32> to vector<256x3xf32>
    %slice3A = vector.extract_strided_slice %get3A_3 {offsets = [0, 0], sizes = [256, 1], strides = [1, 1]} : vector<256x3xf32> to vector<256x1xf32>
    %slice3A_4 = vector.extract_strided_slice %get3A_3 {offsets = [0, 1], sizes = [256, 1], strides = [1, 1]} : vector<256x3xf32> to vector<256x1xf32>
    %slice3A_5 = vector.extract_strided_slice %get3A_3 {offsets = [0, 2], sizes = [256, 1], strides = [1, 1]} : vector<256x3xf32> to vector<256x1xf32>
    %mul3A = arith.mulf %slice3A, %slice3A : vector<256x1xf32>
    %mul3A_6 = arith.mulf %slice3A_4, %slice3A_4 : vector<256x1xf32>
    %add3A = arith.addf %mul3A, %mul3A_6 : vector<256x1xf32>
    %mul3A_7 = arith.mulf %slice3A_5, %slice3A_5 : vector<256x1xf32>
    %add3A_8 = arith.addf %add3A, %mul3A_7 : vector<256x1xf32>
    %iota3A = tpu.iota {dimensions = array<i32: 1>} : vector<1x32xi32>
    %broadcast_in_dim3A = arith.constant 0 : i32
    %broadcast_in_dim3A_9 = vector.broadcast %broadcast_in_dim3A : i32 to vector<256x1xi32>
    %broadcast_in_dim3A_10 = arith.constant 0 : i32
    %broadcast_in_dim3A_11 = vector.broadcast %broadcast_in_dim3A_10 : i32 to vector<256x32xi32>
    %scan3A = arith.constant 0 : i32
    %scan3A_12 = arith.constant 16 : i32
    %scan3A_13 = arith.addi %scan3A, %scan3A_12 : i32
    %scan3A_14 = arith.constant 1 : i32
    %scan3A_15:2 = scf.for %scan3A_32 = %scan3A to %scan3A_13 step %scan3A_14 iter_args(%scan3A_33 = %broadcast_in_dim3A_9, %scan3A_34 = %broadcast_in_dim3A_11) -> (vector<256x1xi32>, vector<256x32xi32>)  : i32 {
      %reduce_min3A = vector.shape_cast %scan3A_33 : vector<256x1xi32> to vector<1x256x1xi32>
      %reduce_min3A_35 = arith.constant dense<2147483647> : vector<1xi32>
      %reduce_min3A_36 = vector.multi_reduction <minsi>, %reduce_min3A, %reduce_min3A_35 [1, 2] : vector<1x256x1xi32> to vector<1xi32>
      %reduce_min3A_37 = vector.shape_cast %reduce_min3A_36 : vector<1xi32> to vector<1x1x1xi32>
      %reduce_min3A_38 = vector.extract %reduce_min3A_37[0, 0, 0] : i32 from vector<1x1x1xi32>
      %lt3A_39 = arith.constant 32 : i32
      %lt3A_40 = arith.cmpi slt, %reduce_min3A_38, %lt3A_39 : i32
      %convert_element_type3A = arith.extui %lt3A_40 : i1 to i32
      %cond3A = arith.constant 0 : i32
      %cond3A_41 = arith.cmpi ne, %convert_element_type3A, %cond3A : i32
      %cond3A_42:2 = scf.if %cond3A_41 -> (vector<256x1xi32>, vector<256x32xi32>) {
        %mul3A_43 = arith.constant 512 : i32
        %mul3A_44 = arith.muli %scan3A_32, %mul3A_43 : i32
        %get3A_45 = arith.constant 0 : index
        %get3A_46 = arith.constant 0 : index
        %get3A_47 = arith.index_cast %mul3A_44 : i32 to index
        %get3A_48 = vector.load %arg2[%get3A_45, %get3A_46, %get3A_47] : memref<1x3x8192xf32, #tpu.memory_space<vmem>>, vector<1x3x512xf32>
        %get3A_49 = vector.shape_cast %get3A_48 : vector<1x3x512xf32> to vector<3x512xf32>
        %slice3A_50 = vector.extract_strided_slice %get3A_49 {offsets = [0, 0], sizes = [1, 512], strides = [1, 1]} : vector<3x512xf32> to vector<1x512xf32>
        %slice3A_51 = vector.extract_strided_slice %get3A_49 {offsets = [1, 0], sizes = [1, 512], strides = [1, 1]} : vector<3x512xf32> to vector<1x512xf32>
        %slice3A_52 = vector.extract_strided_slice %get3A_49 {offsets = [2, 0], sizes = [1, 512], strides = [1, 1]} : vector<3x512xf32> to vector<1x512xf32>
        %mul3A_53 = arith.mulf %slice3A_50, %slice3A_50 : vector<1x512xf32>
        %mul3A_54 = arith.mulf %slice3A_51, %slice3A_51 : vector<1x512xf32>
        %add3A_55 = arith.addf %mul3A_53, %mul3A_54 : vector<1x512xf32>
        %mul3A_56 = arith.mulf %slice3A_52, %slice3A_52 : vector<1x512xf32>
        %add3A_57 = arith.addf %add3A_55, %mul3A_56 : vector<1x512xf32>
        %dot_general3A = arith.constant dense<0.000000e+00> : vector<256x512xf32>
        %dot_general3A_58 = tpu.matmul %get3A_3, %get3A_49, %dot_general3A {dimension_numbers = #tpu.dot_dimension_numbers<[1], [0], [0], [1], [0, 0, 1, 1], [], []>, transpose_lhs_hint = false} : vector<256x3xf32>, vector<3x512xf32>, vector<256x512xf32> -> vector<256x512xf32>
        %add3A_59 = vector.broadcast %add3A_8 : vector<256x1xf32> to vector<256x512xf32>
        %add3A_60 = vector.broadcast %add3A_57 : vector<1x512xf32> to vector<256x512xf32>
        %add3A_61 = arith.addf %add3A_59, %add3A_60 : vector<256x512xf32>
        %mul3A_62 = arith.constant 2.000000e+00 : f32
        %mul3A_63 = vector.broadcast %mul3A_62 : f32 to vector<256x512xf32>
        %mul3A_64 = arith.mulf %mul3A_63, %dot_general3A_58 : vector<256x512xf32>
        %sub3A = arith.subf %add3A_61, %mul3A_64 : vector<256x512xf32>
        %lt3A_65 = arith.constant 4.000000e-02 : f32
        %lt3A_66 = vector.broadcast %lt3A_65 : f32 to vector<256x512xf32>
        %lt3A_67 = arith.cmpf olt, %sub3A, %lt3A_66 : vector<256x512xf32>
        %convert_element_type3A_68 = arith.extui %lt3A_67 : vector<256x512xi1> to vector<256x512xi32>
        %broadcast_in_dim3A_69 = arith.constant 0 : i32
        %broadcast_in_dim3A_70 = vector.broadcast %broadcast_in_dim3A_69 : i32 to vector<256x1xi32>
        %slice3A_71 = vector.extract_strided_slice %convert_element_type3A_68 {offsets = [0, 0], sizes = [256, 511], strides = [1, 1]} : vector<256x512xi32> to vector<256x511xi32>
        %concatenate3A = tpu.concatenate %broadcast_in_dim3A_70, %slice3A_71 in 1 : vector<256x1xi32>, vector<256x511xi32> -> vector<256x512xi32>
        %add3A_72 = arith.addi %convert_element_type3A_68, %concatenate3A : vector<256x512xi32>
        %broadcast_in_dim3A_73 = arith.constant 0 : i32
        %broadcast_in_dim3A_74 = vector.broadcast %broadcast_in_dim3A_73 : i32 to vector<256x2xi32>
        %slice3A_75 = vector.extract_strided_slice %add3A_72 {offsets = [0, 0], sizes = [256, 510], strides = [1, 1]} : vector<256x512xi32> to vector<256x510xi32>
        %concatenate3A_76 = tpu.concatenate %broadcast_in_dim3A_74, %slice3A_75 in 1 : vector<256x2xi32>, vector<256x510xi32> -> vector<256x512xi32>
        %add3A_77 = arith.addi %add3A_72, %concatenate3A_76 : vector<256x512xi32>
        %broadcast_in_dim3A_78 = arith.constant 0 : i32
        %broadcast_in_dim3A_79 = vector.broadcast %broadcast_in_dim3A_78 : i32 to vector<256x4xi32>
        %slice3A_80 = vector.extract_strided_slice %add3A_77 {offsets = [0, 0], sizes = [256, 508], strides = [1, 1]} : vector<256x512xi32> to vector<256x508xi32>
        %concatenate3A_81 = tpu.concatenate %broadcast_in_dim3A_79, %slice3A_80 in 1 : vector<256x4xi32>, vector<256x508xi32> -> vector<256x512xi32>
        %add3A_82 = arith.addi %add3A_77, %concatenate3A_81 : vector<256x512xi32>
        %broadcast_in_dim3A_83 = arith.constant 0 : i32
        %broadcast_in_dim3A_84 = vector.broadcast %broadcast_in_dim3A_83 : i32 to vector<256x8xi32>
        %slice3A_85 = vector.extract_strided_slice %add3A_82 {offsets = [0, 0], sizes = [256, 504], strides = [1, 1]} : vector<256x512xi32> to vector<256x504xi32>
        %concatenate3A_86 = tpu.concatenate %broadcast_in_dim3A_84, %slice3A_85 in 1 : vector<256x8xi32>, vector<256x504xi32> -> vector<256x512xi32>
        %add3A_87 = arith.addi %add3A_82, %concatenate3A_86 : vector<256x512xi32>
        %broadcast_in_dim3A_88 = arith.constant 0 : i32
        %broadcast_in_dim3A_89 = vector.broadcast %broadcast_in_dim3A_88 : i32 to vector<256x16xi32>
        %slice3A_90 = vector.extract_strided_slice %add3A_87 {offsets = [0, 0], sizes = [256, 496], strides = [1, 1]} : vector<256x512xi32> to vector<256x496xi32>
        %concatenate3A_91 = tpu.concatenate %broadcast_in_dim3A_89, %slice3A_90 in 1 : vector<256x16xi32>, vector<256x496xi32> -> vector<256x512xi32>
        %add3A_92 = arith.addi %add3A_87, %concatenate3A_91 : vector<256x512xi32>
        %broadcast_in_dim3A_93 = arith.constant 0 : i32
        %broadcast_in_dim3A_94 = vector.broadcast %broadcast_in_dim3A_93 : i32 to vector<256x32xi32>
        %slice3A_95 = vector.extract_strided_slice %add3A_92 {offsets = [0, 0], sizes = [256, 480], strides = [1, 1]} : vector<256x512xi32> to vector<256x480xi32>
        %concatenate3A_96 = tpu.concatenate %broadcast_in_dim3A_94, %slice3A_95 in 1 : vector<256x32xi32>, vector<256x480xi32> -> vector<256x512xi32>
        %add3A_97 = arith.addi %add3A_92, %concatenate3A_96 : vector<256x512xi32>
        %broadcast_in_dim3A_98 = arith.constant 0 : i32
        %broadcast_in_dim3A_99 = vector.broadcast %broadcast_in_dim3A_98 : i32 to vector<256x64xi32>
        %slice3A_100 = vector.extract_strided_slice %add3A_97 {offsets = [0, 0], sizes = [256, 448], strides = [1, 1]} : vector<256x512xi32> to vector<256x448xi32>
        %concatenate3A_101 = tpu.concatenate %broadcast_in_dim3A_99, %slice3A_100 in 1 : vector<256x64xi32>, vector<256x448xi32> -> vector<256x512xi32>
        %add3A_102 = arith.addi %add3A_97, %concatenate3A_101 : vector<256x512xi32>
        %broadcast_in_dim3A_103 = arith.constant 0 : i32
        %broadcast_in_dim3A_104 = vector.broadcast %broadcast_in_dim3A_103 : i32 to vector<256x128xi32>
        %slice3A_105 = vector.extract_strided_slice %add3A_102 {offsets = [0, 0], sizes = [256, 384], strides = [1, 1]} : vector<256x512xi32> to vector<256x384xi32>
        %concatenate3A_106 = tpu.concatenate %broadcast_in_dim3A_104, %slice3A_105 in 1 : vector<256x128xi32>, vector<256x384xi32> -> vector<256x512xi32>
        %add3A_107 = arith.addi %add3A_102, %concatenate3A_106 : vector<256x512xi32>
        %broadcast_in_dim3A_108 = arith.constant 0 : i32
        %broadcast_in_dim3A_109 = vector.broadcast %broadcast_in_dim3A_108 : i32 to vector<256x256xi32>
        %slice3A_110 = vector.extract_strided_slice %add3A_107 {offsets = [0, 0], sizes = [256, 256], strides = [1, 1]} : vector<256x512xi32> to vector<256x256xi32>
        %concatenate3A_111 = tpu.concatenate %broadcast_in_dim3A_109, %slice3A_110 in 1 : vector<256x256xi32>, vector<256x256xi32> -> vector<256x512xi32>
        %add3A_112 = arith.addi %add3A_107, %concatenate3A_111 : vector<256x512xi32>
        %add3A_113 = vector.broadcast %scan3A_33 : vector<256x1xi32> to vector<256x512xi32>
        %add3A_114 = arith.addi %add3A_112, %add3A_113 : vector<256x512xi32>
        %le3A = arith.constant 0 : i32
        %le3A_115 = vector.broadcast %le3A : i32 to vector<256x512xi32>
        %le3A_116 = arith.cmpi sle, %add3A_114, %le3A_115 : vector<256x512xi32>
        %convert_element_type3A_117 = arith.extui %le3A_116 : vector<256x512xi1> to vector<256x512xi32>
        %reduce_sum3A = arith.constant dense<0> : vector<256xi32>
        %reduce_sum3A_118 = vector.multi_reduction <add>, %convert_element_type3A_117, %reduce_sum3A [1] : vector<256x512xi32> to vector<256xi32>
        %broadcast_in_dim3A_119 = vector.shape_cast %reduce_sum3A_118 : vector<256xi32> to vector<256x1xi32>
        %eq3A = arith.constant 0 : i32
        %eq3A_120 = vector.broadcast %eq3A : i32 to vector<1x32xi32>
        %eq3A_121 = arith.cmpi eq, %iota3A, %eq3A_120 : vector<1x32xi32>
        %convert_element_type3A_122 = arith.extui %eq3A_121 : vector<1x32xi1> to vector<1x32xi32>
        %mul3A_123 = vector.broadcast %broadcast_in_dim3A_119 : vector<256x1xi32> to vector<256x32xi32>
        %mul3A_124 = vector.broadcast %convert_element_type3A_122 : vector<1x32xi32> to vector<256x32xi32>
        %mul3A_125 = arith.muli %mul3A_123, %mul3A_124 : vector<256x32xi32>
        %add3A_126 = arith.addi %scan3A_34, %mul3A_125 : vector<256x32xi32>
        %le3A_127 = arith.constant 1 : i32
        %le3A_128 = vector.broadcast %le3A_127 : i32 to vector<256x512xi32>
        %le3A_129 = arith.cmpi sle, %add3A_114, %le3A_128 : vector<256x512xi32>
        %convert_element_type3A_130 = arith.extui %le3A_129 : vector<256x512xi1> to vector<256x512xi32>
        %reduce_sum3A_131 = arith.constant dense<0> : vector<256xi32>
        %reduce_sum3A_132 = vector.multi_reduction <add>, %convert_element_type3A_130, %reduce_sum3A_131 [1] : vector<256x512xi32> to vector<256xi32>
        %broadcast_in_dim3A_133 = vector.shape_cast %reduce_sum3A_132 : vector<256xi32> to vector<256x1xi32>
        %eq3A_134 = arith.constant 1 : i32
        %eq3A_135 = vector.broadcast %eq3A_134 : i32 to vector<1x32xi32>
        %eq3A_136 = arith.cmpi eq, %iota3A, %eq3A_135 : vector<1x32xi32>
        %convert_element_type3A_137 = arith.extui %eq3A_136 : vector<1x32xi1> to vector<1x32xi32>
        %mul3A_138 = vector.broadcast %broadcast_in_dim3A_133 : vector<256x1xi32> to vector<256x32xi32>
        %mul3A_139 = vector.broadcast %convert_element_type3A_137 : vector<1x32xi32> to vector<256x32xi32>
        %mul3A_140 = arith.muli %mul3A_138, %mul3A_139 : vector<256x32xi32>
        %add3A_141 = arith.addi %add3A_126, %mul3A_140 : vector<256x32xi32>
        %le3A_142 = arith.constant 2 : i32
        %le3A_143 = vector.broadcast %le3A_142 : i32 to vector<256x512xi32>
        %le3A_144 = arith.cmpi sle, %add3A_114, %le3A_143 : vector<256x512xi32>
        %convert_element_type3A_145 = arith.extui %le3A_144 : vector<256x512xi1> to vector<256x512xi32>
        %reduce_sum3A_146 = arith.constant dense<0> : vector<256xi32>
        %reduce_sum3A_147 = vector.multi_reduction <add>, %convert_element_type3A_145, %reduce_sum3A_146 [1] : vector<256x512xi32> to vector<256xi32>
        %broadcast_in_dim3A_148 = vector.shape_cast %reduce_sum3A_147 : vector<256xi32> to vector<256x1xi32>
        %eq3A_149 = arith.constant 2 : i32
        %eq3A_150 = vector.broadcast %eq3A_149 : i32 to vector<1x32xi32>
        %eq3A_151 = arith.cmpi eq, %iota3A, %eq3A_150 : vector<1x32xi32>
        %convert_element_type3A_152 = arith.extui %eq3A_151 : vector<1x32xi1> to vector<1x32xi32>
        %mul3A_153 = vector.broadcast %broadcast_in_dim3A_148 : vector<256x1xi32> to vector<256x32xi32>
        %mul3A_154 = vector.broadcast %convert_element_type3A_152 : vector<1x32xi32> to vector<256x32xi32>
        %mul3A_155 = arith.muli %mul3A_153, %mul3A_154 : vector<256x32xi32>
        %add3A_156 = arith.addi %add3A_141, %mul3A_155 : vector<256x32xi32>
        %le3A_157 = arith.constant 3 : i32
        %le3A_158 = vector.broadcast %le3A_157 : i32 to vector<256x512xi32>
        %le3A_159 = arith.cmpi sle, %add3A_114, %le3A_158 : vector<256x512xi32>
        %convert_element_type3A_160 = arith.extui %le3A_159 : vector<256x512xi1> to vector<256x512xi32>
        %reduce_sum3A_161 = arith.constant dense<0> : vector<256xi32>
        %reduce_sum3A_162 = vector.multi_reduction <add>, %convert_element_type3A_160, %reduce_sum3A_161 [1] : vector<256x512xi32> to vector<256xi32>
        %broadcast_in_dim3A_163 = vector.shape_cast %reduce_sum3A_162 : vector<256xi32> to vector<256x1xi32>
        %eq3A_164 = arith.constant 3 : i32
        %eq3A_165 = vector.broadcast %eq3A_164 : i32 to vector<1x32xi32>
        %eq3A_166 = arith.cmpi eq, %iota3A, %eq3A_165 : vector<1x32xi32>
        %convert_element_type3A_167 = arith.extui %eq3A_166 : vector<1x32xi1> to vector<1x32xi32>
        %mul3A_168 = vector.broadcast %broadcast_in_dim3A_163 : vector<256x1xi32> to vector<256x32xi32>
        %mul3A_169 = vector.broadcast %convert_element_type3A_167 : vector<1x32xi32> to vector<256x32xi32>
        %mul3A_170 = arith.muli %mul3A_168, %mul3A_169 : vector<256x32xi32>
        %add3A_171 = arith.addi %add3A_156, %mul3A_170 : vector<256x32xi32>
        %le3A_172 = arith.constant 4 : i32
        %le3A_173 = vector.broadcast %le3A_172 : i32 to vector<256x512xi32>
        %le3A_174 = arith.cmpi sle, %add3A_114, %le3A_173 : vector<256x512xi32>
        %convert_element_type3A_175 = arith.extui %le3A_174 : vector<256x512xi1> to vector<256x512xi32>
        %reduce_sum3A_176 = arith.constant dense<0> : vector<256xi32>
        %reduce_sum3A_177 = vector.multi_reduction <add>, %convert_element_type3A_175, %reduce_sum3A_176 [1] : vector<256x512xi32> to vector<256xi32>
        %broadcast_in_dim3A_178 = vector.shape_cast %reduce_sum3A_177 : vector<256xi32> to vector<256x1xi32>
        %eq3A_179 = arith.constant 4 : i32
        %eq3A_180 = vector.broadcast %eq3A_179 : i32 to vector<1x32xi32>
        %eq3A_181 = arith.cmpi eq, %iota3A, %eq3A_180 : vector<1x32xi32>
        %convert_element_type3A_182 = arith.extui %eq3A_181 : vector<1x32xi1> to vector<1x32xi32>
        %mul3A_183 = vector.broadcast %broadcast_in_dim3A_178 : vector<256x1xi32> to vector<256x32xi32>
        %mul3A_184 = vector.broadcast %convert_element_type3A_182 : vector<1x32xi32> to vector<256x32xi32>
        %mul3A_185 = arith.muli %mul3A_183, %mul3A_184 : vector<256x32xi32>
        %add3A_186 = arith.addi %add3A_171, %mul3A_185 : vector<256x32xi32>
        %le3A_187 = arith.constant 5 : i32
        %le3A_188 = vector.broadcast %le3A_187 : i32 to vector<256x512xi32>
        %le3A_189 = arith.cmpi sle, %add3A_114, %le3A_188 : vector<256x512xi32>
        %convert_element_type3A_190 = arith.extui %le3A_189 : vector<256x512xi1> to vector<256x512xi32>
        %reduce_sum3A_191 = arith.constant dense<0> : vector<256xi32>
        %reduce_sum3A_192 = vector.multi_reduction <add>, %convert_element_type3A_190, %reduce_sum3A_191 [1] : vector<256x512xi32> to vector<256xi32>
        %broadcast_in_dim3A_193 = vector.shape_cast %reduce_sum3A_192 : vector<256xi32> to vector<256x1xi32>
        %eq3A_194 = arith.constant 5 : i32
        %eq3A_195 = vector.broadcast %eq3A_194 : i32 to vector<1x32xi32>
        %eq3A_196 = arith.cmpi eq, %iota3A, %eq3A_195 : vector<1x32xi32>
        %convert_element_type3A_197 = arith.extui %eq3A_196 : vector<1x32xi1> to vector<1x32xi32>
        %mul3A_198 = vector.broadcast %broadcast_in_dim3A_193 : vector<256x1xi32> to vector<256x32xi32>
        %mul3A_199 = vector.broadcast %convert_element_type3A_197 : vector<1x32xi32> to vector<256x32xi32>
        %mul3A_200 = arith.muli %mul3A_198, %mul3A_199 : vector<256x32xi32>
        %add3A_201 = arith.addi %add3A_186, %mul3A_200 : vector<256x32xi32>
        %le3A_202 = arith.constant 6 : i32
        %le3A_203 = vector.broadcast %le3A_202 : i32 to vector<256x512xi32>
        %le3A_204 = arith.cmpi sle, %add3A_114, %le3A_203 : vector<256x512xi32>
        %convert_element_type3A_205 = arith.extui %le3A_204 : vector<256x512xi1> to vector<256x512xi32>
        %reduce_sum3A_206 = arith.constant dense<0> : vector<256xi32>
        %reduce_sum3A_207 = vector.multi_reduction <add>, %convert_element_type3A_205, %reduce_sum3A_206 [1] : vector<256x512xi32> to vector<256xi32>
        %broadcast_in_dim3A_208 = vector.shape_cast %reduce_sum3A_207 : vector<256xi32> to vector<256x1xi32>
        %eq3A_209 = arith.constant 6 : i32
        %eq3A_210 = vector.broadcast %eq3A_209 : i32 to vector<1x32xi32>
        %eq3A_211 = arith.cmpi eq, %iota3A, %eq3A_210 : vector<1x32xi32>
        %convert_element_type3A_212 = arith.extui %eq3A_211 : vector<1x32xi1> to vector<1x32xi32>
        %mul3A_213 = vector.broadcast %broadcast_in_dim3A_208 : vector<256x1xi32> to vector<256x32xi32>
        %mul3A_214 = vector.broadcast %convert_element_type3A_212 : vector<1x32xi32> to vector<256x32xi32>
        %mul3A_215 = arith.muli %mul3A_213, %mul3A_214 : vector<256x32xi32>
        %add3A_216 = arith.addi %add3A_201, %mul3A_215 : vector<256x32xi32>
        %le3A_217 = arith.constant 7 : i32
        %le3A_218 = vector.broadcast %le3A_217 : i32 to vector<256x512xi32>
        %le3A_219 = arith.cmpi sle, %add3A_114, %le3A_218 : vector<256x512xi32>
        %convert_element_type3A_220 = arith.extui %le3A_219 : vector<256x512xi1> to vector<256x512xi32>
        %reduce_sum3A_221 = arith.constant dense<0> : vector<256xi32>
        %reduce_sum3A_222 = vector.multi_reduction <add>, %convert_element_type3A_220, %reduce_sum3A_221 [1] : vector<256x512xi32> to vector<256xi32>
        %broadcast_in_dim3A_223 = vector.shape_cast %reduce_sum3A_222 : vector<256xi32> to vector<256x1xi32>
        %eq3A_224 = arith.constant 7 : i32
        %eq3A_225 = vector.broadcast %eq3A_224 : i32 to vector<1x32xi32>
        %eq3A_226 = arith.cmpi eq, %iota3A, %eq3A_225 : vector<1x32xi32>
        %convert_element_type3A_227 = arith.extui %eq3A_226 : vector<1x32xi1> to vector<1x32xi32>
        %mul3A_228 = vector.broadcast %broadcast_in_dim3A_223 : vector<256x1xi32> to vector<256x32xi32>
        %mul3A_229 = vector.broadcast %convert_element_type3A_227 : vector<1x32xi32> to vector<256x32xi32>
        %mul3A_230 = arith.muli %mul3A_228, %mul3A_229 : vector<256x32xi32>
        %add3A_231 = arith.addi %add3A_216, %mul3A_230 : vector<256x32xi32>
        %le3A_232 = arith.constant 8 : i32
        %le3A_233 = vector.broadcast %le3A_232 : i32 to vector<256x512xi32>
        %le3A_234 = arith.cmpi sle, %add3A_114, %le3A_233 : vector<256x512xi32>
        %convert_element_type3A_235 = arith.extui %le3A_234 : vector<256x512xi1> to vector<256x512xi32>
        %reduce_sum3A_236 = arith.constant dense<0> : vector<256xi32>
        %reduce_sum3A_237 = vector.multi_reduction <add>, %convert_element_type3A_235, %reduce_sum3A_236 [1] : vector<256x512xi32> to vector<256xi32>
        %broadcast_in_dim3A_238 = vector.shape_cast %reduce_sum3A_237 : vector<256xi32> to vector<256x1xi32>
        %eq3A_239 = arith.constant 8 : i32
        %eq3A_240 = vector.broadcast %eq3A_239 : i32 to vector<1x32xi32>
        %eq3A_241 = arith.cmpi eq, %iota3A, %eq3A_240 : vector<1x32xi32>
        %convert_element_type3A_242 = arith.extui %eq3A_241 : vector<1x32xi1> to vector<1x32xi32>
        %mul3A_243 = vector.broadcast %broadcast_in_dim3A_238 : vector<256x1xi32> to vector<256x32xi32>
        %mul3A_244 = vector.broadcast %convert_element_type3A_242 : vector<1x32xi32> to vector<256x32xi32>
        %mul3A_245 = arith.muli %mul3A_243, %mul3A_244 : vector<256x32xi32>
        %add3A_246 = arith.addi %add3A_231, %mul3A_245 : vector<256x32xi32>
        %le3A_247 = arith.constant 9 : i32
        %le3A_248 = vector.broadcast %le3A_247 : i32 to vector<256x512xi32>
        %le3A_249 = arith.cmpi sle, %add3A_114, %le3A_248 : vector<256x512xi32>
        %convert_element_type3A_250 = arith.extui %le3A_249 : vector<256x512xi1> to vector<256x512xi32>
        %reduce_sum3A_251 = arith.constant dense<0> : vector<256xi32>
        %reduce_sum3A_252 = vector.multi_reduction <add>, %convert_element_type3A_250, %reduce_sum3A_251 [1] : vector<256x512xi32> to vector<256xi32>
        %broadcast_in_dim3A_253 = vector.shape_cast %reduce_sum3A_252 : vector<256xi32> to vector<256x1xi32>
        %eq3A_254 = arith.constant 9 : i32
        %eq3A_255 = vector.broadcast %eq3A_254 : i32 to vector<1x32xi32>
        %eq3A_256 = arith.cmpi eq, %iota3A, %eq3A_255 : vector<1x32xi32>
        %convert_element_type3A_257 = arith.extui %eq3A_256 : vector<1x32xi1> to vector<1x32xi32>
        %mul3A_258 = vector.broadcast %broadcast_in_dim3A_253 : vector<256x1xi32> to vector<256x32xi32>
        %mul3A_259 = vector.broadcast %convert_element_type3A_257 : vector<1x32xi32> to vector<256x32xi32>
        %mul3A_260 = arith.muli %mul3A_258, %mul3A_259 : vector<256x32xi32>
        %add3A_261 = arith.addi %add3A_246, %mul3A_260 : vector<256x32xi32>
        %le3A_262 = arith.constant 10 : i32
        %le3A_263 = vector.broadcast %le3A_262 : i32 to vector<256x512xi32>
        %le3A_264 = arith.cmpi sle, %add3A_114, %le3A_263 : vector<256x512xi32>
        %convert_element_type3A_265 = arith.extui %le3A_264 : vector<256x512xi1> to vector<256x512xi32>
        %reduce_sum3A_266 = arith.constant dense<0> : vector<256xi32>
        %reduce_sum3A_267 = vector.multi_reduction <add>, %convert_element_type3A_265, %reduce_sum3A_266 [1] : vector<256x512xi32> to vector<256xi32>
        %broadcast_in_dim3A_268 = vector.shape_cast %reduce_sum3A_267 : vector<256xi32> to vector<256x1xi32>
        %eq3A_269 = arith.constant 10 : i32
        %eq3A_270 = vector.broadcast %eq3A_269 : i32 to vector<1x32xi32>
        %eq3A_271 = arith.cmpi eq, %iota3A, %eq3A_270 : vector<1x32xi32>
        %convert_element_type3A_272 = arith.extui %eq3A_271 : vector<1x32xi1> to vector<1x32xi32>
        %mul3A_273 = vector.broadcast %broadcast_in_dim3A_268 : vector<256x1xi32> to vector<256x32xi32>
        %mul3A_274 = vector.broadcast %convert_element_type3A_272 : vector<1x32xi32> to vector<256x32xi32>
        %mul3A_275 = arith.muli %mul3A_273, %mul3A_274 : vector<256x32xi32>
        %add3A_276 = arith.addi %add3A_261, %mul3A_275 : vector<256x32xi32>
        %le3A_277 = arith.constant 11 : i32
        %le3A_278 = vector.broadcast %le3A_277 : i32 to vector<256x512xi32>
        %le3A_279 = arith.cmpi sle, %add3A_114, %le3A_278 : vector<256x512xi32>
        %convert_element_type3A_280 = arith.extui %le3A_279 : vector<256x512xi1> to vector<256x512xi32>
        %reduce_sum3A_281 = arith.constant dense<0> : vector<256xi32>
        %reduce_sum3A_282 = vector.multi_reduction <add>, %convert_element_type3A_280, %reduce_sum3A_281 [1] : vector<256x512xi32> to vector<256xi32>
        %broadcast_in_dim3A_283 = vector.shape_cast %reduce_sum3A_282 : vector<256xi32> to vector<256x1xi32>
        %eq3A_284 = arith.constant 11 : i32
        %eq3A_285 = vector.broadcast %eq3A_284 : i32 to vector<1x32xi32>
        %eq3A_286 = arith.cmpi eq, %iota3A, %eq3A_285 : vector<1x32xi32>
        %convert_element_type3A_287 = arith.extui %eq3A_286 : vector<1x32xi1> to vector<1x32xi32>
        %mul3A_288 = vector.broadcast %broadcast_in_dim3A_283 : vector<256x1xi32> to vector<256x32xi32>
        %mul3A_289 = vector.broadcast %convert_element_type3A_287 : vector<1x32xi32> to vector<256x32xi32>
        %mul3A_290 = arith.muli %mul3A_288, %mul3A_289 : vector<256x32xi32>
        %add3A_291 = arith.addi %add3A_276, %mul3A_290 : vector<256x32xi32>
        %le3A_292 = arith.constant 12 : i32
        %le3A_293 = vector.broadcast %le3A_292 : i32 to vector<256x512xi32>
        %le3A_294 = arith.cmpi sle, %add3A_114, %le3A_293 : vector<256x512xi32>
        %convert_element_type3A_295 = arith.extui %le3A_294 : vector<256x512xi1> to vector<256x512xi32>
        %reduce_sum3A_296 = arith.constant dense<0> : vector<256xi32>
        %reduce_sum3A_297 = vector.multi_reduction <add>, %convert_element_type3A_295, %reduce_sum3A_296 [1] : vector<256x512xi32> to vector<256xi32>
        %broadcast_in_dim3A_298 = vector.shape_cast %reduce_sum3A_297 : vector<256xi32> to vector<256x1xi32>
        %eq3A_299 = arith.constant 12 : i32
        %eq3A_300 = vector.broadcast %eq3A_299 : i32 to vector<1x32xi32>
        %eq3A_301 = arith.cmpi eq, %iota3A, %eq3A_300 : vector<1x32xi32>
        %convert_element_type3A_302 = arith.extui %eq3A_301 : vector<1x32xi1> to vector<1x32xi32>
        %mul3A_303 = vector.broadcast %broadcast_in_dim3A_298 : vector<256x1xi32> to vector<256x32xi32>
        %mul3A_304 = vector.broadcast %convert_element_type3A_302 : vector<1x32xi32> to vector<256x32xi32>
        %mul3A_305 = arith.muli %mul3A_303, %mul3A_304 : vector<256x32xi32>
        %add3A_306 = arith.addi %add3A_291, %mul3A_305 : vector<256x32xi32>
        %le3A_307 = arith.constant 13 : i32
        %le3A_308 = vector.broadcast %le3A_307 : i32 to vector<256x512xi32>
        %le3A_309 = arith.cmpi sle, %add3A_114, %le3A_308 : vector<256x512xi32>
        %convert_element_type3A_310 = arith.extui %le3A_309 : vector<256x512xi1> to vector<256x512xi32>
        %reduce_sum3A_311 = arith.constant dense<0> : vector<256xi32>
        %reduce_sum3A_312 = vector.multi_reduction <add>, %convert_element_type3A_310, %reduce_sum3A_311 [1] : vector<256x512xi32> to vector<256xi32>
        %broadcast_in_dim3A_313 = vector.shape_cast %reduce_sum3A_312 : vector<256xi32> to vector<256x1xi32>
        %eq3A_314 = arith.constant 13 : i32
        %eq3A_315 = vector.broadcast %eq3A_314 : i32 to vector<1x32xi32>
        %eq3A_316 = arith.cmpi eq, %iota3A, %eq3A_315 : vector<1x32xi32>
        %convert_element_type3A_317 = arith.extui %eq3A_316 : vector<1x32xi1> to vector<1x32xi32>
        %mul3A_318 = vector.broadcast %broadcast_in_dim3A_313 : vector<256x1xi32> to vector<256x32xi32>
        %mul3A_319 = vector.broadcast %convert_element_type3A_317 : vector<1x32xi32> to vector<256x32xi32>
        %mul3A_320 = arith.muli %mul3A_318, %mul3A_319 : vector<256x32xi32>
        %add3A_321 = arith.addi %add3A_306, %mul3A_320 : vector<256x32xi32>
        %le3A_322 = arith.constant 14 : i32
        %le3A_323 = vector.broadcast %le3A_322 : i32 to vector<256x512xi32>
        %le3A_324 = arith.cmpi sle, %add3A_114, %le3A_323 : vector<256x512xi32>
        %convert_element_type3A_325 = arith.extui %le3A_324 : vector<256x512xi1> to vector<256x512xi32>
        %reduce_sum3A_326 = arith.constant dense<0> : vector<256xi32>
        %reduce_sum3A_327 = vector.multi_reduction <add>, %convert_element_type3A_325, %reduce_sum3A_326 [1] : vector<256x512xi32> to vector<256xi32>
        %broadcast_in_dim3A_328 = vector.shape_cast %reduce_sum3A_327 : vector<256xi32> to vector<256x1xi32>
        %eq3A_329 = arith.constant 14 : i32
        %eq3A_330 = vector.broadcast %eq3A_329 : i32 to vector<1x32xi32>
        %eq3A_331 = arith.cmpi eq, %iota3A, %eq3A_330 : vector<1x32xi32>
        %convert_element_type3A_332 = arith.extui %eq3A_331 : vector<1x32xi1> to vector<1x32xi32>
        %mul3A_333 = vector.broadcast %broadcast_in_dim3A_328 : vector<256x1xi32> to vector<256x32xi32>
        %mul3A_334 = vector.broadcast %convert_element_type3A_332 : vector<1x32xi32> to vector<256x32xi32>
        %mul3A_335 = arith.muli %mul3A_333, %mul3A_334 : vector<256x32xi32>
        %add3A_336 = arith.addi %add3A_321, %mul3A_335 : vector<256x32xi32>
        %le3A_337 = arith.constant 15 : i32
        %le3A_338 = vector.broadcast %le3A_337 : i32 to vector<256x512xi32>
        %le3A_339 = arith.cmpi sle, %add3A_114, %le3A_338 : vector<256x512xi32>
        %convert_element_type3A_340 = arith.extui %le3A_339 : vector<256x512xi1> to vector<256x512xi32>
        %reduce_sum3A_341 = arith.constant dense<0> : vector<256xi32>
        %reduce_sum3A_342 = vector.multi_reduction <add>, %convert_element_type3A_340, %reduce_sum3A_341 [1] : vector<256x512xi32> to vector<256xi32>
        %broadcast_in_dim3A_343 = vector.shape_cast %reduce_sum3A_342 : vector<256xi32> to vector<256x1xi32>
        %eq3A_344 = arith.constant 15 : i32
        %eq3A_345 = vector.broadcast %eq3A_344 : i32 to vector<1x32xi32>
        %eq3A_346 = arith.cmpi eq, %iota3A, %eq3A_345 : vector<1x32xi32>
        %convert_element_type3A_347 = arith.extui %eq3A_346 : vector<1x32xi1> to vector<1x32xi32>
        %mul3A_348 = vector.broadcast %broadcast_in_dim3A_343 : vector<256x1xi32> to vector<256x32xi32>
        %mul3A_349 = vector.broadcast %convert_element_type3A_347 : vector<1x32xi32> to vector<256x32xi32>
        %mul3A_350 = arith.muli %mul3A_348, %mul3A_349 : vector<256x32xi32>
        %add3A_351 = arith.addi %add3A_336, %mul3A_350 : vector<256x32xi32>
        %le3A_352 = arith.constant 16 : i32
        %le3A_353 = vector.broadcast %le3A_352 : i32 to vector<256x512xi32>
        %le3A_354 = arith.cmpi sle, %add3A_114, %le3A_353 : vector<256x512xi32>
        %convert_element_type3A_355 = arith.extui %le3A_354 : vector<256x512xi1> to vector<256x512xi32>
        %reduce_sum3A_356 = arith.constant dense<0> : vector<256xi32>
        %reduce_sum3A_357 = vector.multi_reduction <add>, %convert_element_type3A_355, %reduce_sum3A_356 [1] : vector<256x512xi32> to vector<256xi32>
        %broadcast_in_dim3A_358 = vector.shape_cast %reduce_sum3A_357 : vector<256xi32> to vector<256x1xi32>
        %eq3A_359 = arith.constant 16 : i32
        %eq3A_360 = vector.broadcast %eq3A_359 : i32 to vector<1x32xi32>
        %eq3A_361 = arith.cmpi eq, %iota3A, %eq3A_360 : vector<1x32xi32>
        %convert_element_type3A_362 = arith.extui %eq3A_361 : vector<1x32xi1> to vector<1x32xi32>
        %mul3A_363 = vector.broadcast %broadcast_in_dim3A_358 : vector<256x1xi32> to vector<256x32xi32>
        %mul3A_364 = vector.broadcast %convert_element_type3A_362 : vector<1x32xi32> to vector<256x32xi32>
        %mul3A_365 = arith.muli %mul3A_363, %mul3A_364 : vector<256x32xi32>
        %add3A_366 = arith.addi %add3A_351, %mul3A_365 : vector<256x32xi32>
        %le3A_367 = arith.constant 17 : i32
        %le3A_368 = vector.broadcast %le3A_367 : i32 to vector<256x512xi32>
        %le3A_369 = arith.cmpi sle, %add3A_114, %le3A_368 : vector<256x512xi32>
        %convert_element_type3A_370 = arith.extui %le3A_369 : vector<256x512xi1> to vector<256x512xi32>
        %reduce_sum3A_371 = arith.constant dense<0> : vector<256xi32>
        %reduce_sum3A_372 = vector.multi_reduction <add>, %convert_element_type3A_370, %reduce_sum3A_371 [1] : vector<256x512xi32> to vector<256xi32>
        %broadcast_in_dim3A_373 = vector.shape_cast %reduce_sum3A_372 : vector<256xi32> to vector<256x1xi32>
        %eq3A_374 = arith.constant 17 : i32
        %eq3A_375 = vector.broadcast %eq3A_374 : i32 to vector<1x32xi32>
        %eq3A_376 = arith.cmpi eq, %iota3A, %eq3A_375 : vector<1x32xi32>
        %convert_element_type3A_377 = arith.extui %eq3A_376 : vector<1x32xi1> to vector<1x32xi32>
        %mul3A_378 = vector.broadcast %broadcast_in_dim3A_373 : vector<256x1xi32> to vector<256x32xi32>
        %mul3A_379 = vector.broadcast %convert_element_type3A_377 : vector<1x32xi32> to vector<256x32xi32>
        %mul3A_380 = arith.muli %mul3A_378, %mul3A_379 : vector<256x32xi32>
        %add3A_381 = arith.addi %add3A_366, %mul3A_380 : vector<256x32xi32>
        %le3A_382 = arith.constant 18 : i32
        %le3A_383 = vector.broadcast %le3A_382 : i32 to vector<256x512xi32>
        %le3A_384 = arith.cmpi sle, %add3A_114, %le3A_383 : vector<256x512xi32>
        %convert_element_type3A_385 = arith.extui %le3A_384 : vector<256x512xi1> to vector<256x512xi32>
        %reduce_sum3A_386 = arith.constant dense<0> : vector<256xi32>
        %reduce_sum3A_387 = vector.multi_reduction <add>, %convert_element_type3A_385, %reduce_sum3A_386 [1] : vector<256x512xi32> to vector<256xi32>
        %broadcast_in_dim3A_388 = vector.shape_cast %reduce_sum3A_387 : vector<256xi32> to vector<256x1xi32>
        %eq3A_389 = arith.constant 18 : i32
        %eq3A_390 = vector.broadcast %eq3A_389 : i32 to vector<1x32xi32>
        %eq3A_391 = arith.cmpi eq, %iota3A, %eq3A_390 : vector<1x32xi32>
        %convert_element_type3A_392 = arith.extui %eq3A_391 : vector<1x32xi1> to vector<1x32xi32>
        %mul3A_393 = vector.broadcast %broadcast_in_dim3A_388 : vector<256x1xi32> to vector<256x32xi32>
        %mul3A_394 = vector.broadcast %convert_element_type3A_392 : vector<1x32xi32> to vector<256x32xi32>
        %mul3A_395 = arith.muli %mul3A_393, %mul3A_394 : vector<256x32xi32>
        %add3A_396 = arith.addi %add3A_381, %mul3A_395 : vector<256x32xi32>
        %le3A_397 = arith.constant 19 : i32
        %le3A_398 = vector.broadcast %le3A_397 : i32 to vector<256x512xi32>
        %le3A_399 = arith.cmpi sle, %add3A_114, %le3A_398 : vector<256x512xi32>
        %convert_element_type3A_400 = arith.extui %le3A_399 : vector<256x512xi1> to vector<256x512xi32>
        %reduce_sum3A_401 = arith.constant dense<0> : vector<256xi32>
        %reduce_sum3A_402 = vector.multi_reduction <add>, %convert_element_type3A_400, %reduce_sum3A_401 [1] : vector<256x512xi32> to vector<256xi32>
        %broadcast_in_dim3A_403 = vector.shape_cast %reduce_sum3A_402 : vector<256xi32> to vector<256x1xi32>
        %eq3A_404 = arith.constant 19 : i32
        %eq3A_405 = vector.broadcast %eq3A_404 : i32 to vector<1x32xi32>
        %eq3A_406 = arith.cmpi eq, %iota3A, %eq3A_405 : vector<1x32xi32>
        %convert_element_type3A_407 = arith.extui %eq3A_406 : vector<1x32xi1> to vector<1x32xi32>
        %mul3A_408 = vector.broadcast %broadcast_in_dim3A_403 : vector<256x1xi32> to vector<256x32xi32>
        %mul3A_409 = vector.broadcast %convert_element_type3A_407 : vector<1x32xi32> to vector<256x32xi32>
        %mul3A_410 = arith.muli %mul3A_408, %mul3A_409 : vector<256x32xi32>
        %add3A_411 = arith.addi %add3A_396, %mul3A_410 : vector<256x32xi32>
        %le3A_412 = arith.constant 20 : i32
        %le3A_413 = vector.broadcast %le3A_412 : i32 to vector<256x512xi32>
        %le3A_414 = arith.cmpi sle, %add3A_114, %le3A_413 : vector<256x512xi32>
        %convert_element_type3A_415 = arith.extui %le3A_414 : vector<256x512xi1> to vector<256x512xi32>
        %reduce_sum3A_416 = arith.constant dense<0> : vector<256xi32>
        %reduce_sum3A_417 = vector.multi_reduction <add>, %convert_element_type3A_415, %reduce_sum3A_416 [1] : vector<256x512xi32> to vector<256xi32>
        %broadcast_in_dim3A_418 = vector.shape_cast %reduce_sum3A_417 : vector<256xi32> to vector<256x1xi32>
        %eq3A_419 = arith.constant 20 : i32
        %eq3A_420 = vector.broadcast %eq3A_419 : i32 to vector<1x32xi32>
        %eq3A_421 = arith.cmpi eq, %iota3A, %eq3A_420 : vector<1x32xi32>
        %convert_element_type3A_422 = arith.extui %eq3A_421 : vector<1x32xi1> to vector<1x32xi32>
        %mul3A_423 = vector.broadcast %broadcast_in_dim3A_418 : vector<256x1xi32> to vector<256x32xi32>
        %mul3A_424 = vector.broadcast %convert_element_type3A_422 : vector<1x32xi32> to vector<256x32xi32>
        %mul3A_425 = arith.muli %mul3A_423, %mul3A_424 : vector<256x32xi32>
        %add3A_426 = arith.addi %add3A_411, %mul3A_425 : vector<256x32xi32>
        %le3A_427 = arith.constant 21 : i32
        %le3A_428 = vector.broadcast %le3A_427 : i32 to vector<256x512xi32>
        %le3A_429 = arith.cmpi sle, %add3A_114, %le3A_428 : vector<256x512xi32>
        %convert_element_type3A_430 = arith.extui %le3A_429 : vector<256x512xi1> to vector<256x512xi32>
        %reduce_sum3A_431 = arith.constant dense<0> : vector<256xi32>
        %reduce_sum3A_432 = vector.multi_reduction <add>, %convert_element_type3A_430, %reduce_sum3A_431 [1] : vector<256x512xi32> to vector<256xi32>
        %broadcast_in_dim3A_433 = vector.shape_cast %reduce_sum3A_432 : vector<256xi32> to vector<256x1xi32>
        %eq3A_434 = arith.constant 21 : i32
        %eq3A_435 = vector.broadcast %eq3A_434 : i32 to vector<1x32xi32>
        %eq3A_436 = arith.cmpi eq, %iota3A, %eq3A_435 : vector<1x32xi32>
        %convert_element_type3A_437 = arith.extui %eq3A_436 : vector<1x32xi1> to vector<1x32xi32>
        %mul3A_438 = vector.broadcast %broadcast_in_dim3A_433 : vector<256x1xi32> to vector<256x32xi32>
        %mul3A_439 = vector.broadcast %convert_element_type3A_437 : vector<1x32xi32> to vector<256x32xi32>
        %mul3A_440 = arith.muli %mul3A_438, %mul3A_439 : vector<256x32xi32>
        %add3A_441 = arith.addi %add3A_426, %mul3A_440 : vector<256x32xi32>
        %le3A_442 = arith.constant 22 : i32
        %le3A_443 = vector.broadcast %le3A_442 : i32 to vector<256x512xi32>
        %le3A_444 = arith.cmpi sle, %add3A_114, %le3A_443 : vector<256x512xi32>
        %convert_element_type3A_445 = arith.extui %le3A_444 : vector<256x512xi1> to vector<256x512xi32>
        %reduce_sum3A_446 = arith.constant dense<0> : vector<256xi32>
        %reduce_sum3A_447 = vector.multi_reduction <add>, %convert_element_type3A_445, %reduce_sum3A_446 [1] : vector<256x512xi32> to vector<256xi32>
        %broadcast_in_dim3A_448 = vector.shape_cast %reduce_sum3A_447 : vector<256xi32> to vector<256x1xi32>
        %eq3A_449 = arith.constant 22 : i32
        %eq3A_450 = vector.broadcast %eq3A_449 : i32 to vector<1x32xi32>
        %eq3A_451 = arith.cmpi eq, %iota3A, %eq3A_450 : vector<1x32xi32>
        %convert_element_type3A_452 = arith.extui %eq3A_451 : vector<1x32xi1> to vector<1x32xi32>
        %mul3A_453 = vector.broadcast %broadcast_in_dim3A_448 : vector<256x1xi32> to vector<256x32xi32>
        %mul3A_454 = vector.broadcast %convert_element_type3A_452 : vector<1x32xi32> to vector<256x32xi32>
        %mul3A_455 = arith.muli %mul3A_453, %mul3A_454 : vector<256x32xi32>
        %add3A_456 = arith.addi %add3A_441, %mul3A_455 : vector<256x32xi32>
        %le3A_457 = arith.constant 23 : i32
        %le3A_458 = vector.broadcast %le3A_457 : i32 to vector<256x512xi32>
        %le3A_459 = arith.cmpi sle, %add3A_114, %le3A_458 : vector<256x512xi32>
        %convert_element_type3A_460 = arith.extui %le3A_459 : vector<256x512xi1> to vector<256x512xi32>
        %reduce_sum3A_461 = arith.constant dense<0> : vector<256xi32>
        %reduce_sum3A_462 = vector.multi_reduction <add>, %convert_element_type3A_460, %reduce_sum3A_461 [1] : vector<256x512xi32> to vector<256xi32>
        %broadcast_in_dim3A_463 = vector.shape_cast %reduce_sum3A_462 : vector<256xi32> to vector<256x1xi32>
        %eq3A_464 = arith.constant 23 : i32
        %eq3A_465 = vector.broadcast %eq3A_464 : i32 to vector<1x32xi32>
        %eq3A_466 = arith.cmpi eq, %iota3A, %eq3A_465 : vector<1x32xi32>
        %convert_element_type3A_467 = arith.extui %eq3A_466 : vector<1x32xi1> to vector<1x32xi32>
        %mul3A_468 = vector.broadcast %broadcast_in_dim3A_463 : vector<256x1xi32> to vector<256x32xi32>
        %mul3A_469 = vector.broadcast %convert_element_type3A_467 : vector<1x32xi32> to vector<256x32xi32>
        %mul3A_470 = arith.muli %mul3A_468, %mul3A_469 : vector<256x32xi32>
        %add3A_471 = arith.addi %add3A_456, %mul3A_470 : vector<256x32xi32>
        %le3A_472 = arith.constant 24 : i32
        %le3A_473 = vector.broadcast %le3A_472 : i32 to vector<256x512xi32>
        %le3A_474 = arith.cmpi sle, %add3A_114, %le3A_473 : vector<256x512xi32>
        %convert_element_type3A_475 = arith.extui %le3A_474 : vector<256x512xi1> to vector<256x512xi32>
        %reduce_sum3A_476 = arith.constant dense<0> : vector<256xi32>
        %reduce_sum3A_477 = vector.multi_reduction <add>, %convert_element_type3A_475, %reduce_sum3A_476 [1] : vector<256x512xi32> to vector<256xi32>
        %broadcast_in_dim3A_478 = vector.shape_cast %reduce_sum3A_477 : vector<256xi32> to vector<256x1xi32>
        %eq3A_479 = arith.constant 24 : i32
        %eq3A_480 = vector.broadcast %eq3A_479 : i32 to vector<1x32xi32>
        %eq3A_481 = arith.cmpi eq, %iota3A, %eq3A_480 : vector<1x32xi32>
        %convert_element_type3A_482 = arith.extui %eq3A_481 : vector<1x32xi1> to vector<1x32xi32>
        %mul3A_483 = vector.broadcast %broadcast_in_dim3A_478 : vector<256x1xi32> to vector<256x32xi32>
        %mul3A_484 = vector.broadcast %convert_element_type3A_482 : vector<1x32xi32> to vector<256x32xi32>
        %mul3A_485 = arith.muli %mul3A_483, %mul3A_484 : vector<256x32xi32>
        %add3A_486 = arith.addi %add3A_471, %mul3A_485 : vector<256x32xi32>
        %le3A_487 = arith.constant 25 : i32
        %le3A_488 = vector.broadcast %le3A_487 : i32 to vector<256x512xi32>
        %le3A_489 = arith.cmpi sle, %add3A_114, %le3A_488 : vector<256x512xi32>
        %convert_element_type3A_490 = arith.extui %le3A_489 : vector<256x512xi1> to vector<256x512xi32>
        %reduce_sum3A_491 = arith.constant dense<0> : vector<256xi32>
        %reduce_sum3A_492 = vector.multi_reduction <add>, %convert_element_type3A_490, %reduce_sum3A_491 [1] : vector<256x512xi32> to vector<256xi32>
        %broadcast_in_dim3A_493 = vector.shape_cast %reduce_sum3A_492 : vector<256xi32> to vector<256x1xi32>
        %eq3A_494 = arith.constant 25 : i32
        %eq3A_495 = vector.broadcast %eq3A_494 : i32 to vector<1x32xi32>
        %eq3A_496 = arith.cmpi eq, %iota3A, %eq3A_495 : vector<1x32xi32>
        %convert_element_type3A_497 = arith.extui %eq3A_496 : vector<1x32xi1> to vector<1x32xi32>
        %mul3A_498 = vector.broadcast %broadcast_in_dim3A_493 : vector<256x1xi32> to vector<256x32xi32>
        %mul3A_499 = vector.broadcast %convert_element_type3A_497 : vector<1x32xi32> to vector<256x32xi32>
        %mul3A_500 = arith.muli %mul3A_498, %mul3A_499 : vector<256x32xi32>
        %add3A_501 = arith.addi %add3A_486, %mul3A_500 : vector<256x32xi32>
        %le3A_502 = arith.constant 26 : i32
        %le3A_503 = vector.broadcast %le3A_502 : i32 to vector<256x512xi32>
        %le3A_504 = arith.cmpi sle, %add3A_114, %le3A_503 : vector<256x512xi32>
        %convert_element_type3A_505 = arith.extui %le3A_504 : vector<256x512xi1> to vector<256x512xi32>
        %reduce_sum3A_506 = arith.constant dense<0> : vector<256xi32>
        %reduce_sum3A_507 = vector.multi_reduction <add>, %convert_element_type3A_505, %reduce_sum3A_506 [1] : vector<256x512xi32> to vector<256xi32>
        %broadcast_in_dim3A_508 = vector.shape_cast %reduce_sum3A_507 : vector<256xi32> to vector<256x1xi32>
        %eq3A_509 = arith.constant 26 : i32
        %eq3A_510 = vector.broadcast %eq3A_509 : i32 to vector<1x32xi32>
        %eq3A_511 = arith.cmpi eq, %iota3A, %eq3A_510 : vector<1x32xi32>
        %convert_element_type3A_512 = arith.extui %eq3A_511 : vector<1x32xi1> to vector<1x32xi32>
        %mul3A_513 = vector.broadcast %broadcast_in_dim3A_508 : vector<256x1xi32> to vector<256x32xi32>
        %mul3A_514 = vector.broadcast %convert_element_type3A_512 : vector<1x32xi32> to vector<256x32xi32>
        %mul3A_515 = arith.muli %mul3A_513, %mul3A_514 : vector<256x32xi32>
        %add3A_516 = arith.addi %add3A_501, %mul3A_515 : vector<256x32xi32>
        %le3A_517 = arith.constant 27 : i32
        %le3A_518 = vector.broadcast %le3A_517 : i32 to vector<256x512xi32>
        %le3A_519 = arith.cmpi sle, %add3A_114, %le3A_518 : vector<256x512xi32>
        %convert_element_type3A_520 = arith.extui %le3A_519 : vector<256x512xi1> to vector<256x512xi32>
        %reduce_sum3A_521 = arith.constant dense<0> : vector<256xi32>
        %reduce_sum3A_522 = vector.multi_reduction <add>, %convert_element_type3A_520, %reduce_sum3A_521 [1] : vector<256x512xi32> to vector<256xi32>
        %broadcast_in_dim3A_523 = vector.shape_cast %reduce_sum3A_522 : vector<256xi32> to vector<256x1xi32>
        %eq3A_524 = arith.constant 27 : i32
        %eq3A_525 = vector.broadcast %eq3A_524 : i32 to vector<1x32xi32>
        %eq3A_526 = arith.cmpi eq, %iota3A, %eq3A_525 : vector<1x32xi32>
        %convert_element_type3A_527 = arith.extui %eq3A_526 : vector<1x32xi1> to vector<1x32xi32>
        %mul3A_528 = vector.broadcast %broadcast_in_dim3A_523 : vector<256x1xi32> to vector<256x32xi32>
        %mul3A_529 = vector.broadcast %convert_element_type3A_527 : vector<1x32xi32> to vector<256x32xi32>
        %mul3A_530 = arith.muli %mul3A_528, %mul3A_529 : vector<256x32xi32>
        %add3A_531 = arith.addi %add3A_516, %mul3A_530 : vector<256x32xi32>
        %le3A_532 = arith.constant 28 : i32
        %le3A_533 = vector.broadcast %le3A_532 : i32 to vector<256x512xi32>
        %le3A_534 = arith.cmpi sle, %add3A_114, %le3A_533 : vector<256x512xi32>
        %convert_element_type3A_535 = arith.extui %le3A_534 : vector<256x512xi1> to vector<256x512xi32>
        %reduce_sum3A_536 = arith.constant dense<0> : vector<256xi32>
        %reduce_sum3A_537 = vector.multi_reduction <add>, %convert_element_type3A_535, %reduce_sum3A_536 [1] : vector<256x512xi32> to vector<256xi32>
        %broadcast_in_dim3A_538 = vector.shape_cast %reduce_sum3A_537 : vector<256xi32> to vector<256x1xi32>
        %eq3A_539 = arith.constant 28 : i32
        %eq3A_540 = vector.broadcast %eq3A_539 : i32 to vector<1x32xi32>
        %eq3A_541 = arith.cmpi eq, %iota3A, %eq3A_540 : vector<1x32xi32>
        %convert_element_type3A_542 = arith.extui %eq3A_541 : vector<1x32xi1> to vector<1x32xi32>
        %mul3A_543 = vector.broadcast %broadcast_in_dim3A_538 : vector<256x1xi32> to vector<256x32xi32>
        %mul3A_544 = vector.broadcast %convert_element_type3A_542 : vector<1x32xi32> to vector<256x32xi32>
        %mul3A_545 = arith.muli %mul3A_543, %mul3A_544 : vector<256x32xi32>
        %add3A_546 = arith.addi %add3A_531, %mul3A_545 : vector<256x32xi32>
        %le3A_547 = arith.constant 29 : i32
        %le3A_548 = vector.broadcast %le3A_547 : i32 to vector<256x512xi32>
        %le3A_549 = arith.cmpi sle, %add3A_114, %le3A_548 : vector<256x512xi32>
        %convert_element_type3A_550 = arith.extui %le3A_549 : vector<256x512xi1> to vector<256x512xi32>
        %reduce_sum3A_551 = arith.constant dense<0> : vector<256xi32>
        %reduce_sum3A_552 = vector.multi_reduction <add>, %convert_element_type3A_550, %reduce_sum3A_551 [1] : vector<256x512xi32> to vector<256xi32>
        %broadcast_in_dim3A_553 = vector.shape_cast %reduce_sum3A_552 : vector<256xi32> to vector<256x1xi32>
        %eq3A_554 = arith.constant 29 : i32
        %eq3A_555 = vector.broadcast %eq3A_554 : i32 to vector<1x32xi32>
        %eq3A_556 = arith.cmpi eq, %iota3A, %eq3A_555 : vector<1x32xi32>
        %convert_element_type3A_557 = arith.extui %eq3A_556 : vector<1x32xi1> to vector<1x32xi32>
        %mul3A_558 = vector.broadcast %broadcast_in_dim3A_553 : vector<256x1xi32> to vector<256x32xi32>
        %mul3A_559 = vector.broadcast %convert_element_type3A_557 : vector<1x32xi32> to vector<256x32xi32>
        %mul3A_560 = arith.muli %mul3A_558, %mul3A_559 : vector<256x32xi32>
        %add3A_561 = arith.addi %add3A_546, %mul3A_560 : vector<256x32xi32>
        %le3A_562 = arith.constant 30 : i32
        %le3A_563 = vector.broadcast %le3A_562 : i32 to vector<256x512xi32>
        %le3A_564 = arith.cmpi sle, %add3A_114, %le3A_563 : vector<256x512xi32>
        %convert_element_type3A_565 = arith.extui %le3A_564 : vector<256x512xi1> to vector<256x512xi32>
        %reduce_sum3A_566 = arith.constant dense<0> : vector<256xi32>
        %reduce_sum3A_567 = vector.multi_reduction <add>, %convert_element_type3A_565, %reduce_sum3A_566 [1] : vector<256x512xi32> to vector<256xi32>
        %broadcast_in_dim3A_568 = vector.shape_cast %reduce_sum3A_567 : vector<256xi32> to vector<256x1xi32>
        %eq3A_569 = arith.constant 30 : i32
        %eq3A_570 = vector.broadcast %eq3A_569 : i32 to vector<1x32xi32>
        %eq3A_571 = arith.cmpi eq, %iota3A, %eq3A_570 : vector<1x32xi32>
        %convert_element_type3A_572 = arith.extui %eq3A_571 : vector<1x32xi1> to vector<1x32xi32>
        %mul3A_573 = vector.broadcast %broadcast_in_dim3A_568 : vector<256x1xi32> to vector<256x32xi32>
        %mul3A_574 = vector.broadcast %convert_element_type3A_572 : vector<1x32xi32> to vector<256x32xi32>
        %mul3A_575 = arith.muli %mul3A_573, %mul3A_574 : vector<256x32xi32>
        %add3A_576 = arith.addi %add3A_561, %mul3A_575 : vector<256x32xi32>
        %le3A_577 = arith.constant 31 : i32
        %le3A_578 = vector.broadcast %le3A_577 : i32 to vector<256x512xi32>
        %le3A_579 = arith.cmpi sle, %add3A_114, %le3A_578 : vector<256x512xi32>
        %convert_element_type3A_580 = arith.extui %le3A_579 : vector<256x512xi1> to vector<256x512xi32>
        %reduce_sum3A_581 = arith.constant dense<0> : vector<256xi32>
        %reduce_sum3A_582 = vector.multi_reduction <add>, %convert_element_type3A_580, %reduce_sum3A_581 [1] : vector<256x512xi32> to vector<256xi32>
        %broadcast_in_dim3A_583 = vector.shape_cast %reduce_sum3A_582 : vector<256xi32> to vector<256x1xi32>
        %eq3A_584 = arith.constant 31 : i32
        %eq3A_585 = vector.broadcast %eq3A_584 : i32 to vector<1x32xi32>
        %eq3A_586 = arith.cmpi eq, %iota3A, %eq3A_585 : vector<1x32xi32>
        %convert_element_type3A_587 = arith.extui %eq3A_586 : vector<1x32xi1> to vector<1x32xi32>
        %mul3A_588 = vector.broadcast %broadcast_in_dim3A_583 : vector<256x1xi32> to vector<256x32xi32>
        %mul3A_589 = vector.broadcast %convert_element_type3A_587 : vector<1x32xi32> to vector<256x32xi32>
        %mul3A_590 = arith.muli %mul3A_588, %mul3A_589 : vector<256x32xi32>
        %add3A_591 = arith.addi %add3A_576, %mul3A_590 : vector<256x32xi32>
        %slice3A_592 = vector.extract_strided_slice %add3A_114 {offsets = [0, 511], sizes = [256, 1], strides = [1, 1]} : vector<256x512xi32> to vector<256x1xi32>
        scf.yield %slice3A_592, %add3A_591 : vector<256x1xi32>, vector<256x32xi32>
      } else {
        scf.yield %scan3A_33, %scan3A_34 : vector<256x1xi32>, vector<256x32xi32>
      }
      scf.yield %cond3A_42#0, %cond3A_42#1 : vector<256x1xi32>, vector<256x32xi32>
    }
    %scan3A_16 = arith.constant 16 : i32
    %slice3A_17 = vector.extract_strided_slice %scan3A_15#1 {offsets = [0, 0], sizes = [256, 1], strides = [1, 1]} : vector<256x32xi32> to vector<256x1xi32>
    %lt3A = arith.constant 8192 : i32
    %lt3A_18 = vector.broadcast %lt3A : i32 to vector<256x32xi32>
    %lt3A_19 = arith.cmpi slt, %scan3A_15#1, %lt3A_18 : vector<256x32xi32>
    %broadcast_in_dim3A_20 = vector.shape_cast %slice3A_17 : vector<256x1xi32> to vector<256x1xi32>
    %broadcast_in_dim3A_21 = vector.broadcast %broadcast_in_dim3A_20 : vector<256x1xi32> to vector<256x32xi32>
    %select_n3A = arith.select %lt3A_19, %scan3A_15#1, %broadcast_in_dim3A_21 : vector<256x32xi1>, vector<256x32xi32>
    %lt3A_22 = arith.constant 8192 : i32
    %lt3A_23 = vector.broadcast %lt3A_22 : i32 to vector<256x32xi32>
    %lt3A_24 = arith.cmpi slt, %select_n3A, %lt3A_23 : vector<256x32xi32>
    %jit3A = arith.constant 0 : i32
    %broadcast_in_dim3A_25 = vector.broadcast %jit3A : i32 to vector<256x32xi32>
    %select_n3A_26 = arith.select %lt3A_24, %select_n3A, %broadcast_in_dim3A_25 : vector<256x32xi1>, vector<256x32xi32>
    %swap3A = arith.constant 0 : index
    %swap3A_27 = arith.constant 0 : index
    %swap3A_28 = arith.constant 0 : index
    %swap3A_29 = vector.load %arg4[%swap3A, %swap3A_27, %swap3A_28] : memref<1x256x32xi32, #tpu.memory_space<vmem>>, vector<1x256x32xi32>
    %swap3A_30 = vector.shape_cast %swap3A_29 : vector<1x256x32xi32> to vector<256x32xi32>
    %swap3A_31 = vector.shape_cast %select_n3A_26 : vector<256x32xi32> to vector<1x256x32xi32>
    tpu.vector_store %arg4[%swap3A, %swap3A_27, %swap3A_28], %swap3A_31 {strides = array<i32>} : memref<1x256x32xi32, #tpu.memory_space<vmem>>, vector<1x256x32xi32>,
    return
  }
  func.func @transform_0(%arg0: i32, %arg1: i32) -> (i32, i32, i32) {
    %c0_i32 = arith.constant 0 : i32
    %c0_i32_0 = arith.constant 0 : i32
    %c0_i32_1 = arith.constant 0 : i32
    return %arg0, %c0_i32, %c0_i32_0 : i32, i32, i32
  }
  func.func @transform_1(%arg0: i32, %arg1: i32) -> (i32, i32, i32) {
    %c0_i32 = arith.constant 0 : i32
    %c0_i32_0 = arith.constant 0 : i32
    return %arg0, %arg1, %c0_i32 : i32, i32, i32
  }
  func.func @transform_2(%arg0: i32, %arg1: i32) -> (i32, i32, i32) {
    %c0_i32 = arith.constant 0 : i32
    %c0_i32_0 = arith.constant 0 : i32
    return %arg0, %arg1, %c0_i32 : i32, i32, i32
  }
}

</mosaic_0001>

<sc_bundles>
// kernel: kernel.5.cloned.1.call-start
scs
__scs_entry_jumppad:
0x0: {  	(pc) =	sbr.rel $0x88, $3  }
0x1: {  	(tag) =	ssettag $0x0;
	lr =	simm.s32 $0x1  }
0x2: {  	[smem:$0x3FA0] =	sst lr;
	_ =	strace $0xD0000000  }
0x3: {  	_ = 	snop  }
0x4: {  	_ = 	snop  }
0x5: {  	_ = 	snop  }
0x6: {  	_ = 	snop  }
0x7: {  	_ = 	snop  }
__scs_overlays_trampoline_lowered:
0x8: {  	[smem:$0x3FAF] =	sst s0  }
0x9: {  	[smem:$0x3FB0] =	sst s1  }
0xa: {  	[smem:$0x3FB1] =	sst s2  }
0xb: {  	[smem:$0x3FB2] =	sst s3  }
0xc: {  	[smem:$0x3FB3] =	sst s4  }
0xd: {  	[smem:$0x3FB4] =	sst s5  }
0xe: {  	[smem:$0x3FB5] =	sst s6  }
0xf: {  	[smem:$0x3FB6] =	sst s7  }
0x10: {  	[smem:$0x3FB7] =	sst s8  }
0x11: {  	[smem:$0x3FB8] =	sst s9;
	s0 =	simm.s32 @!p0 $0x0  }
0x12: {  	s1 =	sld [smem:$0x3F9E];
	s0 =	simm.s32 @p0 $0x1  }
0x13: {  	[smem:$0x3FB9] =	sst s0;
	s0 =	simm.s32 @!p1 $0x0  }
0x14: {  	s2 =	sld [smem:$0x3F9D];
	s0 =	simm.s32 @p1 $0x1  }
0x15: {  	[smem:$0x3FBA] =	sst s0;
	s0 =	simm.s32 @!p2 $0x0  }
0x16: {  	s3 =	sld [smem:$0x3FDB];
	s0 =	simm.s32 @p2 $0x1  }
0x17: {  	s4 =	simm.s32 $0x1BF5;
	[smem:$0x3FBC] =	sst s0  }
0x18: {  	s0 =	sld [smem:$0x3F9F];
	_ =	swait.ge [sflag:s4], $0x0  }
0x19: {  	s7 =	sld [smem:$0x3FA0]  }
0x1a: {  	s8 =	sadd.s32 $0xFFFFE003, lr  }
0x1b: {  	s9 =	sadd.s32 $0xFFFFFEF7, lr;
	s5 =	simm.s32 $0xFFFFFFFF;
	p2 =	slt.u32 s8, $0xFFFFF086  }
0x1c: {  	p1 =	slt.u32 s9, $0xF7A;
	s5 =	simm.s32 @!p2 $0x0  }
0x1d: {  	s5 =	simm.s32 @p1 $0x1;
	p0 =	seq.s32 s7, s2  }
0x1e: {  	s7 =	smul.u32 @!p0 $0xF7A, s2;
	p2 =	seq.s32 @!p0 s5, $0x0  }
0x1f: {  	s9 =	smul.u32 $0xF7A, s1;
	s8 =	simm.s32 @!p0 $0x1BF5;
	p2 =	por !p2, p0  }
0x20: {  	[sflag:s8] =	ssyncset.s32 @!p0 $0xFFFFF086;
	s6 =	sadd.s32 @!p0 s3, s7;
	s7 =	simm.s32 @!p0 $0x108  }
0x21: {  	s3 =	sadd.s32 s3, s9;
	s6 =	sadd.s32 @!p0 $0x88, s6;
	s7 =	simm.s32 @p2 $0x1082  }
0x22: {  	[simem:s7], [sflag:s8] =	dma.local @!p0 [hbm:s6], $0xF7A  }
0x23: {  	s9 =	sor.u32 $0xD0000000, s2;
	s6 =	simm.s32 $0x108;
	_ =	swait.ge @!p0 [sflag:s8], $0x0  }
0x24: {  	s3 =	sadd.s32 $0x88, s3;
	s6 =	simm.s32 @!p1 $0x1082;
	[sflag:s4] =	ssyncset.s32 $0xFFFFF086  }
0x25: {  	[simem:s6], [sflag:s4] =	dma.local [hbm:s3], $0xF7A  }
0x26: {  	[smem:$0x3FA0] =	sst s1;
	(tag) =	ssettag s2;
	_ =	strace s9  }
0x27: {  	s1 =	sld [smem:$0x3FB0]  }
0x28: {  	s2 =	sld [smem:$0x3FB1]  }
0x29: {  	s4 =	sld [smem:$0x3FB3]  }
0x2a: {  	p0 =	seq.s32 s5, $0x0;
	s5 =	sld [smem:$0x3FB4]  }
0x2b: {  	s6 =	sld [smem:$0x3FB5]  }
0x2c: {  	s7 =	sld [smem:$0x3FB6]  }
0x2d: {  	s3 =	simm.s32 $0x108;
	s8 =	sld [smem:$0x3FB7]  }
0x2e: {  	s3 =	simm.s32 @!p0 $0x1082;
	s9 =	sld [smem:$0x3FB8]  }
0x2f: {  	lr =	sadd.s32 s0, s3;
	s0 =	sld [smem:$0x3FAF]  }
0x30: {  	s3 =	sld [smem:$0x3FB2]  }
0x31: {  	[smem:$0x3FBB] =	sst s10  }
0x32: {  	s10 =	sld [smem:$0x3FB9];
	_ =	sdelay $0x3  }
0x33: {  	p0 =	seq.s32 s10, $0x1;
	s10 =	sld [smem:$0x3FBB];
	_ =	sdelay $0x3  }
0x34: {  	[smem:$0x3FBB] =	sst s10  }
0x35: {  	s10 =	sld [smem:$0x3FBA];
	_ =	sdelay $0x3  }
0x36: {  	p1 =	seq.s32 s10, $0x1;
	s10 =	sld [smem:$0x3FBB];
	_ =	sdelay $0x3  }
0x37: {  	[smem:$0x3FBB] =	sst s10  }
0x38: {  	s10 =	sld [smem:$0x3FBC]  }
0x39: {  	_ = 	snop;
	(pc) =	sbr.ind lr, $3  }
0x3a: {  	_ = 	snop  }
0x3b: {  	_ = 	snop  }
0x3c: {  	p2 =	seq.s32 s10, $0x1;
	s10 =	sld [smem:$0x3FBB]  }
0x3d: {  	_ =	shalt  }
0x3e: {  	_ =	shalt  }
0x3f: {  	_ =	shalt  }
0x40: {  	_ =	shalt  }
0x41: {  	_ =	shalt  }
0x42: {  	_ =	shalt  }
0x43: {  	_ =	shalt  }
0x44: {  	_ =	shalt  }
0x45: {  	_ =	shalt  }
0x46: {  	_ =	shalt  }
0x47: {  	_ =	shalt  }
0x48: {  	_ =	shalt  }
0x49: {  	_ =	shalt  }
0x4a: {  	_ =	shalt  }
0x4b: {  	_ =	shalt  }
0x4c: {  	_ =	shalt  }
0x4d: {  	_ =	shalt  }
0x4e: {  	_ =	shalt  }
0x4f: {  	_ =	shalt  }
0x50: {  	_ =	shalt  }
0x51: {  	_ =	shalt  }
0x52: {  	_ =	shalt  }
0x53: {  	_ =	shalt  }
0x54: {  	_ =	shalt  }
0x55: {  	_ =	shalt  }
0x56: {  	_ =	shalt  }
0x57: {  	_ =	shalt  }
0x58: {  	_ =	shalt  }
0x59: {  	_ =	shalt  }
0x5a: {  	_ =	shalt  }
0x5b: {  	_ =	shalt  }
0x5c: {  	_ =	shalt  }
0x5d: {  	_ =	shalt  }
0x5e: {  	_ =	shalt  }
0x5f: {  	_ =	shalt  }
0x60: {  	_ =	shalt  }
0x61: {  	_ =	shalt  }
0x62: {  	_ =	shalt  }
0x63: {  	_ =	shalt  }
0x64: {  	_ =	shalt  }
0x65: {  	_ =	shalt  }
0x66: {  	_ =	shalt  }
0x67: {  	_ =	shalt  }
0x68: {  	_ =	shalt  }
0x69: {  	_ =	shalt  }
0x6a: {  	_ =	shalt  }
0x6b: {  	_ =	shalt  }
0x6c: {  	_ =	shalt  }
0x6d: {  	_ =	shalt  }
0x6e: {  	_ =	shalt  }
0x6f: {  	_ =	shalt  }
0x70: {  	_ =	shalt  }
0x71: {  	_ =	shalt  }
0x72: {  	_ =	shalt  }
0x73: {  	_ =	shalt  }
0x74: {  	_ =	shalt  }
0x75: {  	_ =	shalt  }
0x76: {  	_ =	shalt  }
0x77: {  	_ =	shalt  }
0x78: {  	_ =	shalt  }
0x79: {  	_ =	shalt  }
0x7a: {  	_ =	shalt  }
0x7b: {  	_ =	shalt  }
0x7c: {  	_ =	shalt  }
0x7d: {  	_ =	shalt  }
0x7e: {  	_ =	shalt  }
0x7f: {  	_ =	shalt  }
0x80: {  	_ =	shalt  }
0x81: {  	_ =	shalt  }
0x82: {  	_ =	shalt  }
0x83: {  	_ =	shalt  }
0x84: {  	_ =	shalt  }
0x85: {  	_ =	shalt  }
0x86: {  	_ =	shalt  }
0x87: {  	_ =	shalt  }
.Lfunc_end0:
.L_simem_size_0:
called_computation_lowered:
.L_overlay_start_0:
0x88: {  	s2 =	sld [smem:$0x3FD9]  }
0x89: {  	s3 =	sld [smem:$0x3FFE];
	_ =	sdelay $0x1  }
0x8a: {  	s1 =	srdreg.scid  }
0x8b: {  	s0 =	sand.u32 $0x1, s1  }
0x8c: {  	s17 =	sshll.u32 s0, $0xA;
	s2 =	sadd.s32 s3, s2  }
0x8d: {  	s2 =	sadd.s32 s2, s17  }
0x8e: {  	[smem:$0x3FC7] =	sst s2  }
0x8f: {  	_ = 	snop  }
0x90: {  	s2 =	sld [smem:$0x3FD0];
	(tm) =	ssettm $0x1  }
0x91: {  	s18 =	sld [smem:$0x3FFB];
	_ =	sdelay $0x3  }
0x92: {  	_ =	strace s18  }
0x93: {  	s3 =	sld [smem:$0x3FFC];
	_ =	sdelay $0x3  }
0x94: {  	_ =	strace s3  }
0x95: {  	s3 =	sld [smem:$0x3FFD];
	_ =	sdelay $0x3  }
0x96: {  	_ =	strace s3  }
0x97: {  	_ =	strace $0x8FFFFFFF  }
0x98: {  	s19 =	sld [smem:$0x3FDB];
	_ =	sdelay $0x1  }
0x99: {  	s4 =	simm.s32 $_scs_section_size  }
0x9a: {  	s5 =	simm.s32 $_size__tile_overlayer_lowered;
	s6 =	simm.s32 $_tile_overlayer_lowered  }
0x9b: {  	s22 =	simm.s32 $0x1BFF;
	s21 =	sshll.u32 s6, $0x1;
	s3 =	sadd.s32 s4, s19  }
0x9c: {  	s7 =	simm.s32 $0x0;
	s20 =	sshll.u32 s5, $0x1;
	s5 =	sadd.s32 s21, s3  }
0x9d: {  	[timem:s7], [sflag:s22] =	dma.local [hbm:s5], s20  }
0x9e: {  	_ =	swait.ge [sflag:s22], s20  }
0x9f: {  	s4 =	ssub.s32 $0x0, s20;
	[sflag:s22] =	ssyncset.done $0x0  }
0xa0: {  	[sflag:s22] =	ssyncadd.s32 s4;
	_ =	sdelay $0x1  }
0xa1: {  	s23 =	simm.s32 $0x1B8B  }
0xa2: {  	_ =	swait.ge [sflag:s23], $0x1  }
0xa3: {  	[sflag:s23] =	ssyncset.done $0x0  }
0xa4: {  	s25 =	simm.s32 $0x1B8E;
	s24 =	sld [smem:$0x3FFE];
	[sflag:s23] =	ssyncadd.s32 $0xFFFFFFFF  }
0xa5: {  	s26 =	simm.s32 $execute0_lowered;
	[smem:$0x3FD2] =	sst s25  }
0xa6: {  	s5 =	sshll.u32 s26, $0x1;
	_ =	strace $0x80000046;
	[dreg:$0x1] =	wrdreg $0xFFFFFFFF  }
0xa7: {  	s28 =	simm.s32 $_size_execute0_lowered;
	s3 =	sadd.s32 s3, s5;
	[dreg:$0x0] =	wrdreg $0x0  }
0xa8: {  	s5 =	sshll.u32 s28, $0x1;
	[dreg:$0x2] =	wrdreg s3  }
0xa9: {  	[dreg:$0x3] =	wrdreg s5  }
0xaa: {  	[dreg:$0x4] =	wrdreg $0xC0  }
0xab: {  	_ =	task [dreg:s7], $0x5FFFF  }
0xac: {  	[dreg:$0x1] =	wrdreg $0xFFFFFFFF  }
0xad: {  	[dreg:$0x0] =	wrdreg $0x60  }
0xae: {  	[dreg:$0x2] =	wrdreg s24  }
0xaf: {  	[dreg:$0x3] =	wrdreg s2  }
0xb0: {  	[dreg:$0x4] =	wrdreg $0x9  }
0xb1: {  	_ =	task.clear_ibuf [dreg:s7], $0x5FFFF;
	_ =	strace $0x90000046  }
0xb2: {  	s29 =	simm.s32 $0x9;
	_ =	strace $0x80000048  }
0xb3: {  	_ =	swait.ge [sflag:s29], $0x1  }
0xb4: {  	[sflag:s29] =	ssyncadd.s32 $0xFFFFFFFF  }
0xb5: {  	_ =	strace $0x90000048  }
0xb6: {  	_ =	sfence  }
0xb7: {  	s30 =	sld [smem:$0x0];
	_ =	sdelay $0x2  }
0xb8: {  	s31 =	sshll.u32 s1, $0xD;
	s1 =	sshrl.u32 s1, $0x2  }
0xb9: {  	s3 =	sand.u32 $0x4000, s31;
	s1 =	sadd.s32 s1, s30  }
0xba: {  	s0 =	sor.u32 s3, s0;
	s1 =	sshll.u32 s1, $0x11  }
0xbb: {  	s0 =	sor.u32 s1, s0  }
0xbc: {  	s0 =	sadd.s32 $0x8F2B, s0  }
0xbd: {  	[sflag:s0] =	ssyncadd.remote.s32 $0x1  }
0xbe: {  	_ =	sfence.sel $0xFFFF  }
0xbf: {  	[dreg:$0x0] =	wrdreg $0xFFFFFFFF;
	(pc) =	sbr.abs _section_cstart, $3  }
0xc0: {  	[dreg:$0x1] =	wrdreg $0xFFFFFFFF  }
0xc1: {  	_ =	task.clear_ibuf [dreg:s7], $0x2FFFF;
	_ =	strace $0x9FFFFFFF  }
0xc2: {  	(tm) =	ssettm $0x7FFFFFFF  }
0xc3: {  	_ =	shalt  }
tec
execute0_lowered:
.L_overlay_start_1:
0x0: {  	(tag) =	ssettag $0x1  }
0x1: {  	s3 =	rddreg [dreg:$0x0]  }
0x2: {  	s8 =	rddreg [dreg:$0x1]  }
0x3: {  	s1 =	stileid.u32;
	s0 =	rddreg [dreg:$0x2]  }
0x4: {  	s2 =	srdreg.scid;
	s12 =	simm.s32 $0x8180;
	s13 =	simm.s32 $0x9180  }
0x5: {  	s14 =	simm.s32 $0xA180;
	s15 =	simm.s32 $0xB180;
	s16 =	simm.s32 $0x0  }
0x6: {  	s4 =	sshll.u32 s1, $0x1;
	s5 =	sshrl.u32 s1, $0x2;
	s6 =	sand.u32 $0x1, s2  }
0x7: {  	s2 =	simm.s32 $0x0;
	s4 =	sand.u32 $0x6, s4;
	s7 =	smul.u32 $0xC00, s5  }
0x8: {  	[smem:$0x7FF] =	sst s2;
	s10 =	sshll.u32 s5, $0xC;
	s24 =	sshll.u32 s5, $0xF  }
0x9: {  	s5 =	smul.u32 $0x18000, s5;
	s4 =	sor.u32 s6, s4;
	s6 =	ssub.s32 $0x2, s6  }
0xa: {  	_ =	strace $0x80000047;
	s9 =	smul.u32 $0x180, s4;
	s25 =	sshrl.u32 s6, $0x1  }
0xb: {  	s10 =	sadd.s32 s10, s3;
	s4 =	sshll.u32 s4, $0xC;
	s11 =	ssub.s32 s6, s25  }
0xc: {  	s26 =	sor.u32 s5, s4;
	s7 =	sadd.s32 s7, s9;
	s9 =	sor.u32 s24, s4  }
0xd: {  	s28 =	sadd.s32 $0x8000, s26;
	s29 =	sshrl.u32 s26, $0x3;
	s30 =	sadd.s32 $0x10000, s26  }
0xe: {  	s7 =	sshrl.u32 s7, $0x3;
	s9 =	sshrl.u32 s9, $0x3;
	s6 =	sadd.s32 s8, s29  }
0xf: {  	s31 =	sshrl.u32 s30, $0x3;
	s7 =	sadd.s32 s7, s3;
	s9 =	sadd.s32 s9, s3  }
0x10: {  	s3 =	sadd.s32 $0x600, s10;
	s10 =	simm.s32 $0x1;
	s4 =	sadd.s32 $0x4600, s7  }
0x11: {  	s5 =	sadd.s32 $0x4C00, s9;
	s7 =	sshrl.u32 s28, $0x3;
	s9 =	smax.u32 s11, $0x1  }
0x12: {  	v0 =	vlaneseq.u32;
	s11 =	simm.s32 $0x8000;
	s7 =	sadd.s32 s8, s7;
	s8 =	sadd.s32 s8, s31  }
.LBB2_1:
0x13: {  	[tilespmem:s2], [sflag:$0x1] =	stream.linear.gather [hbm4b:s3+s2], $0x8000, $0x38;
	[tilespmem:$0xC180] =	vst v63  }
0x14: {  	_ =	swait.ge [sflag:s10], $0x8000  }
0x15: {  	[sflag:s10] =	ssyncset.done $0x0  }
0x16: {  	[sflag:s10] =	ssyncadd.s32 $0xFFFF8000  }
0x17: {  	[tilespmem:s11], [sflag:$0x1] =	stream.linear.gather [hbm4b:s4+s2], $0x180, $0x38;
	[tilespmem:$0xC180] =	vst v63  }
0x18: {  	_ =	swait.ge [sflag:s10], $0x180  }
0x19: {  	[sflag:s10] =	ssyncset.done $0x0  }
0x1a: {  	[sflag:s10] =	ssyncadd.s32 $0xFFFFFE80  }
0x1b: {  	[tilespmem:s12], [sflag:$0x1] =	stream.linear.gather [hbm4b:s5+s2], $0x1000, $0x38;
	[tilespmem:$0xC180] =	vst v63  }
0x1c: {  	_ =	swait.ge [sflag:s10], $0x1000  }
0x1d: {  	s17 =	simm.s32 $0x2;
	[sflag:s10] =	ssyncset.done $0x0  }
0x1e: {  	s18 =	simm.s32 $0x9180;
	s19 =	simm.s32 $0x0;
	[sflag:s10] =	ssyncadd.s32 $0xFFFFF000  }
.LBB2_2:
0x1f: {  	v1 =	vor.u32 s19, v0;
	_ =	sdelay $0x4  }
0x20: {  	v2 =	vld.idx.msk [tilespmem:v1+s12+$0x0], $0xffff;
	_ =	sdelay $0x4  }
0x21: {  	s20 =	sadd.s32 $0xFFFFFFFE, s17;
	v3 =	vshll.u32 v2, $0x2  }
0x22: {  	v4 =	vmov s20;
	v2 =	vand.u32 $0x7F, v2;
	v3 =	vand.u32 $0xFFFFFE00, v3  }
0x23: {  	v2 =	vor.u32 v2, v3;
	_ =	sdelay $0x3  }
0x24: {  	v3 =	vld.idx.msk [tilespmem:v4+s11+$0x0], $0xffff  }
0x25: {  	v2 =	vld.idx.msk [tilespmem:v2+s2+$0x0], $0xffff;
	_ =	sdelay $0x1  }
0x26: {  	s29 =	sadd.s32 $0x10, s19  }
0x27: {  	v61 =	vor.u32 s29, v0;
	_ =	sdelay $0x1  }
0x28: {  	v2 =	vsub.f32 v2, v3;
	_ =	sdelay $0x1  }
0x29: {  	[tilespmem:s18+$0x0] =	vst v2  }
0x2a: {  	v2 =	vld.idx.msk [tilespmem:v61+s12+$0x0], $0xffff;
	_ =	sdelay $0x4  }
0x2b: {  	v5 =	vshll.u32 v2, $0x2  }
0x2c: {  	v2 =	vand.u32 $0x7F, v2;
	v5 =	vand.u32 $0xFFFFFE00, v5  }
0x2d: {  	v2 =	vor.u32 v2, v5;
	_ =	sdelay $0x4  }
0x2e: {  	v2 =	vld.idx.msk [tilespmem:v2+s2+$0x0], $0xffff;
	_ =	sdelay $0x4  }
0x2f: {  	v2 =	vsub.f32 v2, v3;
	_ =	sdelay $0x1  }
0x30: {  	[tilespmem:s18+$0x10] =	vst v2  }
0x31: {  	v2 =	vld.idx.msk [tilespmem:v1+s12+$0x0], $0xffff;
	_ =	sdelay $0x4  }
0x32: {  	v3 =	vshll.u32 v2, $0x2  }
0x33: {  	s30 =	sadd.s32 $0xFFFFFFFF, s17;
	v2 =	vand.u32 $0x7F, v2;
	v3 =	vand.u32 $0xFFFFFE00, v3  }
0x34: {  	v62 =	vmov s30;
	v2 =	vor.u32 v3, v2  }
0x35: {  	v2 =	vor.u32 $0x80, v2;
	_ =	sdelay $0x3  }
0x36: {  	v3 =	vld.idx.msk [tilespmem:v62+s11+$0x0], $0xffff  }
0x37: {  	v2 =	vld.idx.msk [tilespmem:v2+s2+$0x0], $0xffff;
	_ =	sdelay $0x4  }
0x38: {  	v2 =	vsub.f32 v2, v3  }
0x39: {  	s31 =	sand.u32 $0xFE0, s19  }
0x3a: {  	[tilespmem:s31+$0xA180] =	vst v2  }
0x3b: {  	v2 =	vld.idx.msk [tilespmem:v61+s12+$0x0], $0xffff;
	_ =	sdelay $0x4  }
0x3c: {  	v63 =	vshll.u32 v2, $0x2  }
0x3d: {  	v2 =	vand.u32 $0x7F, v2;
	v5 =	vand.u32 $0xFFFFFE00, v63  }
0x3e: {  	v2 =	vor.u32 v5, v2  }
0x3f: {  	v2 =	vor.u32 $0x80, v2;
	_ =	sdelay $0x4  }
0x40: {  	v2 =	vld.idx.msk [tilespmem:v2+s2+$0x0], $0xffff;
	_ =	sdelay $0x4  }
0x41: {  	v2 =	vsub.f32 v2, v3;
	_ =	sdelay $0x1  }
0x42: {  	[tilespmem:s18+$0x1010] =	vst v2  }
0x43: {  	v1 =	vld.idx.msk [tilespmem:v1+s12+$0x0], $0xffff;
	_ =	sdelay $0x4  }
0x44: {  	v2 =	vshll.u32 v1, $0x2  }
0x45: {  	v1 =	vand.u32 $0x7F, v1;
	v2 =	vand.u32 $0xFFFFFE00, v2  }
0x46: {  	v3 =	vmov s17;
	v1 =	vor.u32 v2, v1  }
0x47: {  	v1 =	vor.u32 $0x100, v1;
	_ =	sdelay $0x3  }
0x48: {  	v2 =	vld.idx.msk [tilespmem:v3+s11+$0x0], $0xffff  }
0x49: {  	v1 =	vld.idx.msk [tilespmem:v1+s2+$0x0], $0xffff;
	_ =	sdelay $0x4  }
0x4a: {  	v1 =	vsub.f32 v1, v2;
	_ =	sdelay $0x1  }
0x4b: {  	[tilespmem:s31+$0xB180] =	vst v1  }
0x4c: {  	v1 =	vld.idx.msk [tilespmem:v61+s12+$0x0], $0xffff;
	_ =	sdelay $0x4  }
0x4d: {  	v3 =	vshll.u32 v1, $0x2  }
0x4e: {  	v1 =	vand.u32 $0x7F, v1;
	v3 =	vand.u32 $0xFFFFFE00, v3  }
0x4f: {  	v1 =	vor.u32 v3, v1  }
0x50: {  	v1 =	vor.u32 $0x100, v1;
	_ =	sdelay $0x4  }
0x51: {  	v1 =	vld.idx.msk [tilespmem:v1+s2+$0x0], $0xffff;
	_ =	sdelay $0x1  }
0x52: {  	p0 =	sne.s32 s17, $0x17F  }
.Ltmp0:
0x53: {  	_ = 	snop;
	(pc) =	sbr.rel @p0 .LBB2_2-.Ltmp0, $3  }
0x54: {  	_ = 	snop  }
0x55: {  	v1 =	vsub.f32 v1, v2;
	_ =	sdelay $0x1  }
0x56: {  	s19 =	sadd.s32 $0x20, s19;
	s17 =	sadd.s32 $0x3, s17;
	[tilespmem:s18+$0x2010] =	vst v1;
	s18 =	sadd.s32 $0x20, s18  }
0x57: {  	[hbm4b:s6+s2] =	stream.linear.scatter [tilespmem:s13], [sflag:$0x1], $0x1000, $0x38;
	[tilespmem:$0xC180] =	vst v63  }
0x58: {  	_ =	swait.ge [sflag:s10], $0x1000  }
0x59: {  	[sflag:s10] =	ssyncset.done $0x0  }
0x5a: {  	[sflag:s10] =	ssyncadd.s32 $0xFFFFF000  }
0x5b: {  	[hbm4b:s7+s2] =	stream.linear.scatter [tilespmem:s14], [sflag:$0x1], $0x1000, $0x38;
	[tilespmem:$0xC180] =	vst v63  }
0x5c: {  	s16 =	sadd.s32 $0x1, s16;
	_ =	swait.ge [sflag:s10], $0x1000  }
0x5d: {  	p0 =	sne.s32 s16, s9;
	[sflag:s10] =	ssyncset.done $0x0  }
.Ltmp1:
0x5e: {  	[sflag:s10] =	ssyncadd.s32 $0xFFFFF000;
	(pc) =	sbr.rel @p0 .LBB2_1-.Ltmp1, $4  }
0x5f: {  	[hbm4b:s8+s2] =	stream.linear.scatter [tilespmem:s15], [sflag:$0x1], $0x1000, $0x38;
	[tilespmem:$0xC180] =	vst v63  }
0x60: {  	_ =	swait.ge [sflag:s10], $0x1000  }
0x61: {  	[sflag:s10] =	ssyncset.done $0x0  }
0x62: {  	[sflag:s10] =	ssyncadd.s32 $0xFFFFF000  }
0x63: {  	_ =	sfence.sel $0x180000  }
0x64: {  	[bflag:$0x0] =	sbarrier.arrive $0xFFFF  }
0x65: {  	p0 =	sne.s32 s1, $0x0;
	_ =	strace $0x90000047  }
0x66: {  	s0 =	sadd.s32 @!p0 $0x100000, s0;
	[bflag:$0x2] =	sbarrier.arrive $0xFFFF  }
0x67: {  	[sflag:s0] =	ssyncadd.tile.s32 @!p0 $0x1;
	_ =	shalt  }
.Lfunc_end2:
_tile_overlayer_lowered:
.L_overlay_start_2:
0x68: {  	(tag) =	ssettag $0x2  }
0x69: {  	s0 =	rddreg [dreg:$0x0];
	s2 =	stileid.u32  }
0x6a: {  	s1 =	rddreg [dreg:$0x1];
	p0 =	sne.s32 s2, $0x0  }
0x6b: {  	s3 =	rddreg [dreg:$0x2];
	[bflag:$0x3] =	sbarrier.arrive $0xFFFF;
	s2 =	simm.s32 @!p0 $0x1C01  }
0x6c: {  	[timem:s3], [sflag:s2] =	dma.local @!p0 [hbm:s0], s1  }
0x6d: {  	s0 =	simm.s32 @!p0 $0x1  }
0x6e: {  	_ =	swait.ge @!p0 [sflag:s0], s1  }
0x6f: {  	s1 =	ssub.s32 @!p0 $0x0, s1;
	[sflag:s0] =	ssyncset.done @!p0 $0x0  }
0x70: {  	[sflag:s0] =	ssyncadd.s32 @!p0 s1  }
0x71: {  	[bflag:$0x3] =	sbarrier.arrive $0xFFFF  }
0x72: {  	_ =	shalt  }

</sc_bundles>
